<compile_context>
chip_gen: v7x
topology: tpu7x:2x2x1
jax: 0.10.2.dev20260603
libtpu: 0.0.44.dev20260713+nightly
codegen_flags: <defaults>
</compile_context>

<pallas_src>
import functools

import jax
import jax.numpy as jnp
from jax import lax
from jax.experimental import pallas as pl
from jax.experimental.pallas import tpu as pltpu
from jax.experimental.pallas import tpu_sc as plsc

N = 10000
E = 320000
D = 128
H = 64
NSUB = 16
NCORE = 2
EPW = E // NSUB
C = 80
NCH = EPW // C

BE = 2000


def _node_proj_body(x_ref, wsg, bsg, wdg, bdg, wdu, bdu, wsu, bsu,
                    tsg, tdgdu0, tdgdu1, psu):
    x = x_ref[...]
    dn = (((1,), (1,)), ((), ()))
    sg = lax.dot_general(x, wsg[...], dn, preferred_element_type=jnp.float32) + bsg[...]
    dg = lax.dot_general(x, wdg[...], dn, preferred_element_type=jnp.float32) + bdg[...]
    du = lax.dot_general(x, wdu[...], dn, preferred_element_type=jnp.float32) + bdu[...]
    su = lax.dot_general(x, wsu[...], dn, preferred_element_type=jnp.float32) + bsu[...]
    tsg[...] = sg
    tdgdu0[...] = jnp.concatenate([dg[:, :H], du[:, :H]], axis=-1)
    tdgdu1[...] = jnp.concatenate([dg[:, H:], du[:, H:]], axis=-1)
    psu[...] = su


def _node_proj(x, wsg, bsg, wdg, bdg, wdu, bdu, wsu, bsu):
    full = jax.ShapeDtypeStruct((N, D), jnp.float32)
    return pl.pallas_call(
        _node_proj_body,
        out_shape=(full, full, full, full),
    )(x, wsg, bsg, wdg, bdg, wdu, bdu, wsu, bsu)


def _edge_proj_body(ef_ref, w, b, ep0, ep1):
    t = lax.dot_general(ef_ref[...], w[...], (((1,), (1,)), ((), ())),
                        preferred_element_type=jnp.float32) + b[...]
    ep0[...] = t[:, :H]
    ep1[...] = t[:, H:]


def _edge_proj(ef, w, b):
    nblk = E // BE
    half = jax.ShapeDtypeStruct((E, H), jnp.float32)
    return pl.pallas_call(
        _edge_proj_body,
        grid=(nblk,),
        in_specs=[
            pl.BlockSpec((BE, D), lambda i: (i, 0)),
            pl.BlockSpec((D, D), lambda i: (0, 0)),
            pl.BlockSpec((1, D), lambda i: (0, 0)),
        ],
        out_specs=(
            pl.BlockSpec((BE, H), lambda i: (i, 0)),
            pl.BlockSpec((BE, H), lambda i: (i, 0)),
        ),
        out_shape=(half, half),
    )(ef, w, b)


def _sc_body(ep0, ep1, tsg, tdgdu0, tdgdu1, idx_i, idx_j, zeros_hbm,
             y0, y1, sc_comb, stats,
             ii, ij, sg_b, dgdu_b, y_b, msig_b, stat_b,
             s_acc, sem):
    c = lax.axis_index("c")
    s = lax.axis_index("s")

    @pl.when(s == 0)
    def _():
        pltpu.sync_copy(zeros_hbm, s_acc)

    plsc.subcore_barrier()

    base0 = s * EPW

    def chunk_body(k, carry):
        base = base0 + k * C
        d_ii = pltpu.async_copy(idx_i.at[pl.ds(base, C)], ii, sem)
        d_ij = pltpu.async_copy(idx_j.at[pl.ds(base, C)], ij, sem)
        d_ii.wait()
        d_ij.wait()

        @pl.when(c == 0)
        def _():
            d_ep = pltpu.async_copy(ep0.at[pl.ds(base, C)], y_b, sem)
            d_sg = pltpu.async_copy(tsg.at[ii], sg_b, sem)
            d_dd = pltpu.async_copy(tdgdu0.at[ij], dgdu_b, sem)
            d_ep.wait()
            d_sg.wait()
            d_dd.wait()

        @pl.when(c == 1)
        def _():
            d_ep = pltpu.async_copy(ep1.at[pl.ds(base, C)], y_b, sem)
            d_sg = pltpu.async_copy(tsg.at[ii], sg_b, sem)
            d_dd = pltpu.async_copy(tdgdu1.at[ij], dgdu_b, sem)
            d_ep.wait()
            d_sg.wait()
            d_dd.wait()

        coff = c * H

        def row(i, cr):
            out = list(cr)
            for j in range(H // 16):
                sl = pl.ds(j * 16, 16)
                yv = (y_b[i, sl] + sg_b[i, pl.ds(coff + j * 16, 16)]
                      + dgdu_b[i, sl])
                y_b[i, sl] = yv
                sgm = 1.0 / (1.0 + jnp.exp(-yv))
                msig_b[i, pl.ds(H + j * 16, 16)] = sgm
                msig_b[i, sl] = sgm * dgdu_b[i, pl.ds(H + j * 16, 16)]
                out[j] = cr[j] + yv
                out[4 + j] = cr[4 + j] + yv * yv
            return tuple(out)

        carry = lax.fori_loop(0, C, row, carry)

        @pl.when(c == 0)
        def _():
            pltpu.sync_copy(y_b, y0.at[pl.ds(base, C)])

        @pl.when(c == 1)
        def _():
            pltpu.sync_copy(y_b, y1.at[pl.ds(base, C)])

        pltpu.sync_copy(msig_b, s_acc.at[ii], add=True)
        return carry

    zero = jnp.zeros((16,), jnp.float32)
    carry = lax.fori_loop(0, NCH, chunk_body, (zero,) * 8)

    for j in range(H // 16):
        stat_b[0, pl.ds(j * 16, 16)] = carry[j]
        stat_b[1, pl.ds(j * 16, 16)] = carry[4 + j]
    pltpu.sync_copy(stat_b, stats.at[c, s])

    plsc.subcore_barrier()

    @pl.when(s == 0)
    def _():
        pltpu.sync_copy(s_acc, sc_comb.at[c])


def _sc_gather_scatter(ep0, ep1, tsg, tdgdu0, tdgdu1, idx_i, idx_j, zeros_hbm):
    mesh = plsc.VectorSubcoreMesh(core_axis_name="c", subcore_axis_name="s",
                                  num_cores=NCORE, num_subcores=NSUB)
    f32 = jnp.float32
    fn = pl.kernel(
        _sc_body,
        out_type=[
            jax.ShapeDtypeStruct((E, H), f32),
            jax.ShapeDtypeStruct((E, H), f32),
            jax.ShapeDtypeStruct((NCORE, N, D), f32),
            jax.ShapeDtypeStruct((NCORE, NSUB, 2, H), f32),
        ],
        mesh=mesh,
        scratch_types=[
            pltpu.VMEM((C,), jnp.int32),
            pltpu.VMEM((C,), jnp.int32),
            pltpu.VMEM((C, D), f32),
            pltpu.VMEM((C, D), f32),
            pltpu.VMEM((C, H), f32),
            pltpu.VMEM((C, D), f32),
            pltpu.VMEM((2, H), f32),
            pltpu.VMEM_SHARED((N, D), f32),
            pltpu.SemaphoreType.DMA,
        ],
    )
    return fn(ep0, ep1, tsg, tdgdu0, tdgdu1, idx_i, idx_j, zeros_hbm)


def _node_out_body(sc_comb, psu, nf, stats, gn, bn, ge2, be2, x_out, bnp):
    s1 = jnp.concatenate([sc_comb[0, :, :H], sc_comb[1, :, :H]], axis=-1)
    s2 = jnp.concatenate([sc_comb[0, :, H:], sc_comb[1, :, H:]], axis=-1)
    h = s1 / (s2 + 1e-6)
    xlin = psu[...] + h
    mu = jnp.mean(xlin, axis=0, keepdims=True)
    var = jnp.mean((xlin - mu) ** 2, axis=0, keepdims=True)
    xn = gn[...] * (xlin - mu) / jnp.sqrt(var + 1e-5) + bn[...]
    x = xn * jax.nn.sigmoid(xn)
    x_out[...] = nf[...] + x

    st = stats[...]
    sums = jnp.sum(st[:, :, 0, :], axis=1)
    sqs = jnp.sum(st[:, :, 1, :], axis=1)
    mu_e = sums / float(E)
    var_e = sqs / float(E) - mu_e * mu_e
    rstd = 1.0 / jnp.sqrt(var_e + 1e-5)
    a = ge2[...] * rstd
    b = be2[...] - ge2[...] * mu_e * rstd
    bnp[0] = a
    bnp[1] = b


def _node_out(sc_comb, psu, nf, stats, gn, bn, ge2, be2):
    return pl.pallas_call(
        _node_out_body,
        out_shape=(
            jax.ShapeDtypeStruct((N, D), jnp.float32),
            jax.ShapeDtypeStruct((2, NCORE, H), jnp.float32),
        ),
    )(sc_comb, psu, nf, stats, gn, bn, ge2, be2)


def _edge_out_body(y0, y1, ef, bnp, yout):
    a = bnp[...]
    t0 = y0[...] * a[0, 0][None, :] + a[1, 0][None, :]
    t1 = y1[...] * a[0, 1][None, :] + a[1, 1][None, :]
    t = jnp.concatenate([t0, t1], axis=-1)
    yout[...] = ef[...] + t * jax.nn.sigmoid(t)


def _edge_out(y0, y1, ef, bnp):
    nblk = E // BE
    return pl.pallas_call(
        _edge_out_body,
        grid=(nblk,),
        in_specs=[
            pl.BlockSpec((BE, H), lambda i: (i, 0)),
            pl.BlockSpec((BE, H), lambda i: (i, 0)),
            pl.BlockSpec((BE, D), lambda i: (i, 0)),
            pl.BlockSpec((2, NCORE, H), lambda i: (0, 0, 0)),
        ],
        out_specs=pl.BlockSpec((BE, D), lambda i: (i, 0)),
        out_shape=jax.ShapeDtypeStruct((E, D), jnp.float32),
    )(y0, y1, ef, bnp)


def kernel(node_feats, edge_feats, edge_index, W_src_gate, b_src_gate, W_dst_gate,
           b_dst_gate, W_edge_gate, b_edge_gate, W_src_update, b_src_update,
           W_dst_update, b_dst_update, gamma_nodes, beta_nodes, gamma_edges,
           beta_edges):
    f32 = jnp.float32
    idx_i = edge_index[0]
    idx_j = edge_index[1]

    bsg = b_src_gate.reshape(1, D)
    bdg = b_dst_gate.reshape(1, D)
    bdu = b_dst_update.reshape(1, D)
    bsu = b_src_update.reshape(1, D)
    beg = b_edge_gate.reshape(1, D)
    gn = gamma_nodes.reshape(1, D)
    bn = beta_nodes.reshape(1, D)
    ge2 = gamma_edges.reshape(NCORE, H)
    be2 = beta_edges.reshape(NCORE, H)

    tsg, tdgdu0, tdgdu1, psu = _node_proj(
        node_feats, W_src_gate, bsg, W_dst_gate, bdg, W_dst_update, bdu,
        W_src_update, bsu)
    ep0, ep1 = _edge_proj(edge_feats, W_edge_gate, beg)

    zeros_hbm = jnp.zeros((N, D), f32)
    y0, y1, sc_comb, stats = _sc_gather_scatter(
        ep0, ep1, tsg, tdgdu0, tdgdu1, idx_i, idx_j, zeros_hbm)

    x_out, bnp = _node_out(sc_comb, psu, node_feats, stats, gn, bn, ge2, be2)
    y_out = _edge_out(y0, y1, edge_feats, bnp)
    return (x_out, y_out)

# --- scband reference (transcript-rebuilt; emitter-appended) ---
"""Pipeline reference for scband-edge-gated-graph-conv-64424509440774 (READ-ONLY COPY).

The authoritative reference and input builder live on the scoring server;
editing this copy changes nothing except your own understanding.
"""

import jax, jax.numpy as jnp
import numpy as np

N = 10000
E = 320000
D = 128

def _lin(x, W, b):
    return x @ W.T + b

def _bn(x, g, b):
    mu = jnp.mean(x, axis=0)
    var = jnp.var(x, axis=0)
    return g * (x - mu) / jnp.sqrt(var + 1e-5) + b

def _silu(x):
    return x * jax.nn.sigmoid(x)

def setup_inputs(seed: int = 0):
    key = jax.random.key(seed)
    ks = jax.random.split(key, 14)
    s = 1.0 / np.sqrt(D)
    inp = {}
    inp['node_feats'] = jax.random.normal(ks[0], (N, D), dtype=jnp.float32)
    inp['edge_feats'] = jax.random.normal(ks[1], (E, D), dtype=jnp.float32)
    inp['edge_index'] = jax.random.randint(ks[2], (2, E), 0, N, dtype=jnp.int32)
    inp['W_src_gate'] = jax.random.normal(ks[3], (D, D), dtype=jnp.float32) * s
    inp['b_src_gate'] = jnp.zeros((D,), dtype=jnp.float32)
    inp['W_dst_gate'] = jax.random.normal(ks[4], (D, D), dtype=jnp.float32) * s
    inp['b_dst_gate'] = jnp.zeros((D,), dtype=jnp.float32)
    inp['W_edge_gate'] = jax.random.normal(ks[5], (D, D), dtype=jnp.float32) * s
    inp['b_edge_gate'] = jnp.zeros((D,), dtype=jnp.float32)
    inp['W_src_update'] = jax.random.normal(ks[6], (D, D), dtype=jnp.float32) * s
    inp['b_src_update'] = jnp.zeros((D,), dtype=jnp.float32)
    inp['W_dst_update'] = jax.random.normal(ks[7], (D, D), dtype=jnp.float32) * s
    inp['b_dst_update'] = jnp.zeros((D,), dtype=jnp.float32)
    inp['gamma_nodes'] = jnp.ones((D,), dtype=jnp.float32)
    inp['beta_nodes'] = jnp.zeros((D,), dtype=jnp.float32)
    inp['gamma_edges'] = jnp.ones((D,), dtype=jnp.float32)
    inp['beta_edges'] = jnp.zeros((D,), dtype=jnp.float32)
    return inp

def reference(node_feats, edge_feats, edge_index, W_src_gate, b_src_gate, W_dst_gate, b_dst_gate, W_edge_gate, b_edge_gate, W_src_update, b_src_update, W_dst_update, b_dst_update, gamma_nodes, beta_nodes, gamma_edges, beta_edges):
    idx_i = edge_index[0]
    idx_j = edge_index[1]
    dim_size = node_feats.shape[0]
    e_src = _lin(node_feats, W_src_gate, b_src_gate)[idx_i]
    e_dst = _lin(node_feats, W_dst_gate, b_dst_gate)[idx_j]
    y = e_src + e_dst + _lin(edge_feats, W_edge_gate, b_edge_gate)
    sigma = jax.nn.sigmoid(y)
    bh = _lin(node_feats, W_dst_update, b_dst_update)[idx_j]
    m = bh * sigma
    sum_sigma_h = jax.ops.segment_sum(m, idx_i, num_segments=dim_size)
    sum_sigma = jax.ops.segment_sum(sigma, idx_i, num_segments=dim_size)
    h = sum_sigma_h / (sum_sigma + 1e-6)
    x = _lin(node_feats, W_src_update, b_src_update) + h
    x = _silu(_bn(x, gamma_nodes, beta_nodes))
    y_out = _silu(_bn(y, gamma_edges, beta_edges))
    x = node_feats + x
    y_out = edge_feats + y_out
    return (x, y_out)

if __name__ == "__main__":
    import jax
    _d = setup_inputs()
    print(jax.jit(kernel)(*tuple(_d.values())))

</pallas_src>

<mosaic_0001>
#map = affine_map<(d0, d1) -> (0, 0)>
#map1 = affine_map<(d0, d1) -> (0)>
#map2 = affine_map<(d0, d1) -> (0, 0, 0)>
#map3 = affine_map<(d0, d1) -> (0, 0, 0, 0)>
module attributes {stable_mosaic.version = 14 : i64} {
  func.func @_sc_body(%arg0: i32, %arg1: i32, %arg2: memref<320000x64xf32, #tpu.memory_space<hbm>>, %arg3: memref<320000x64xf32, #tpu.memory_space<hbm>>, %arg4: memref<10000x128xf32, #tpu.memory_space<hbm>>, %arg5: memref<10000x128xf32, #tpu.memory_space<hbm>>, %arg6: memref<10000x128xf32, #tpu.memory_space<hbm>>, %arg7: memref<320000xi32, #tpu.memory_space<hbm>>, %arg8: memref<320000xi32, #tpu.memory_space<hbm>>, %arg9: memref<10000x128xf32, #tpu.memory_space<hbm>>, %arg10: memref<320000x64xf32, #tpu.memory_space<hbm>>, %arg11: memref<320000x64xf32, #tpu.memory_space<hbm>>, %arg12: memref<2x10000x128xf32, #tpu.memory_space<hbm>>, %arg13: memref<2x16x2x64xf32, #tpu.memory_space<hbm>>, %arg14: memref<80xi32, #tpu.memory_space<vmem>>, %arg15: memref<80xi32, #tpu.memory_space<vmem>>, %arg16: memref<80x128xf32, #tpu.memory_space<vmem>>, %arg17: memref<80x128xf32, #tpu.memory_space<vmem>>, %arg18: memref<80x64xf32, #tpu.memory_space<vmem>>, %arg19: memref<80x128xf32, #tpu.memory_space<vmem>>, %arg20: memref<2x64xf32, #tpu.memory_space<vmem>>, %arg21: memref<10000x128xf32, #tpu.memory_space<vmem_shared>>, %arg22: memref<!tpu.dma_semaphore, #tpu.memory_space<semaphore_mem>>) attributes {dimension_semantics = [#tpu.dimension_semantics<core_parallel>, #tpu.dimension_semantics<subcore_parallel>], iteration_bounds = array<i64: 2, 16>, scalar_prefetch = 0 : i64, scratch_operands = 9 : i64, tpu.core_type = #tpu.core_type<sc_vector_subcore>, window_params = [{transform_indices = #map}, {transform_indices = #map}, {transform_indices = #map}, {transform_indices = #map}, {transform_indices = #map}, {transform_indices = #map1}, {transform_indices = #map1}, {transform_indices = #map}, {transform_indices = #map}, {transform_indices = #map}, {transform_indices = #map2}, {transform_indices = #map3}]} {
    %eq3A = arith.constant 0 : i32
    %eq3A_0 = arith.cmpi eq, %arg1, %eq3A : i32
    %convert_element_type3A = arith.extui %eq3A_0 : i1 to i32
    %cond3A = arith.constant 0 : i32
    %cond3A_1 = arith.cmpi ne, %convert_element_type3A, %cond3A : i32
    scf.if %cond3A_1 {
      "tpu.region"() ({
        %run_scoped3A = tpu.sem_alloc : memref<!tpu.dma_semaphore, #tpu.memory_space<semaphore_mem>>
        tpu.enqueue_dma source(%arg9 : memref<10000x128xf32, #tpu.memory_space<hbm>>) target(%arg21 : memref<10000x128xf32, #tpu.memory_space<vmem_shared>>) target_semaphore(%run_scoped3A : memref<!tpu.dma_semaphore, #tpu.memory_space<semaphore_mem>>)
        tpu.wait_dma2 semaphore(%run_scoped3A : memref<!tpu.dma_semaphore, #tpu.memory_space<semaphore_mem>>) src(%arg9 : memref<10000x128xf32, #tpu.memory_space<hbm>>) dst(%arg21 : memref<10000x128xf32, #tpu.memory_space<vmem_shared>>)
        tpu.yield
      }) : () -> ()
    } else {
    }
    %barrier3A = arith.constant 0 : index
    tpu.barrier barrier_id(%barrier3A)
    %mul3A = arith.constant 20000 : i32
    %mul3A_2 = arith.muli %arg1, %mul3A : i32
    %broadcast_in_dim3A = arith.constant 0.000000e+00 : f32
    %broadcast_in_dim3A_3 = vector.broadcast %broadcast_in_dim3A : f32 to vector<16xf32>
    %scan3A = arith.constant 0 : i32
    %scan3A_4 = arith.constant 250 : i32
    %scan3A_5 = arith.addi %scan3A, %scan3A_4 : i32
    %scan3A_6 = arith.constant 1 : i32
    %scan3A_7:8 = scf.for %scan3A_62 = %scan3A to %scan3A_5 step %scan3A_6 iter_args(%scan3A_63 = %broadcast_in_dim3A_3, %scan3A_64 = %broadcast_in_dim3A_3, %scan3A_65 = %broadcast_in_dim3A_3, %scan3A_66 = %broadcast_in_dim3A_3, %scan3A_67 = %broadcast_in_dim3A_3, %scan3A_68 = %broadcast_in_dim3A_3, %scan3A_69 = %broadcast_in_dim3A_3, %scan3A_70 = %broadcast_in_dim3A_3) -> (vector<16xf32>, vector<16xf32>, vector<16xf32>, vector<16xf32>, vector<16xf32>, vector<16xf32>, vector<16xf32>, vector<16xf32>)  : i32 {
      %mul3A_71 = arith.constant 80 : i32
      %mul3A_72 = arith.muli %scan3A_62, %mul3A_71 : i32
      %add3A = arith.addi %mul3A_2, %mul3A_72 : i32
      %dma_start3A = tpu.memref_slice %arg7[%add3A] : memref<320000xi32, #tpu.memory_space<hbm>> -> memref<80xi32, #tpu.memory_space<hbm>>
      %dma_start3A_73 = tpu.memref_slice %arg7[%add3A] : memref<320000xi32, #tpu.memory_space<hbm>> -> memref<80xi32, #tpu.memory_space<hbm>>
      tpu.enqueue_dma source(%dma_start3A_73 : memref<80xi32, #tpu.memory_space<hbm>>) target(%arg14 : memref<80xi32, #tpu.memory_space<vmem>>) target_semaphore(%arg22 : memref<!tpu.dma_semaphore, #tpu.memory_space<semaphore_mem>>)
      %dma_start3A_74 = tpu.memref_slice %arg8[%add3A] : memref<320000xi32, #tpu.memory_space<hbm>> -> memref<80xi32, #tpu.memory_space<hbm>>
      %dma_start3A_75 = tpu.memref_slice %arg8[%add3A] : memref<320000xi32, #tpu.memory_space<hbm>> -> memref<80xi32, #tpu.memory_space<hbm>>
      tpu.enqueue_dma source(%dma_start3A_75 : memref<80xi32, #tpu.memory_space<hbm>>) target(%arg15 : memref<80xi32, #tpu.memory_space<vmem>>) target_semaphore(%arg22 : memref<!tpu.dma_semaphore, #tpu.memory_space<semaphore_mem>>)
      %dma_wait3A = tpu.memref_slice %arg7[%add3A] : memref<320000xi32, #tpu.memory_space<hbm>> -> memref<80xi32, #tpu.memory_space<hbm>>
      %dma_wait3A_76 = tpu.memref_slice %arg7[%add3A] : memref<320000xi32, #tpu.memory_space<hbm>> -> memref<80xi32, #tpu.memory_space<hbm>>
      tpu.wait_dma2 semaphore(%arg22 : memref<!tpu.dma_semaphore, #tpu.memory_space<semaphore_mem>>) src(%dma_wait3A_76 : memref<80xi32, #tpu.memory_space<hbm>>) dst(%arg14 : memref<80xi32, #tpu.memory_space<vmem>>)
      %dma_wait3A_77 = tpu.memref_slice %arg8[%add3A] : memref<320000xi32, #tpu.memory_space<hbm>> -> memref<80xi32, #tpu.memory_space<hbm>>
      %dma_wait3A_78 = tpu.memref_slice %arg8[%add3A] : memref<320000xi32, #tpu.memory_space<hbm>> -> memref<80xi32, #tpu.memory_space<hbm>>
      tpu.wait_dma2 semaphore(%arg22 : memref<!tpu.dma_semaphore, #tpu.memory_space<semaphore_mem>>) src(%dma_wait3A_78 : memref<80xi32, #tpu.memory_space<hbm>>) dst(%arg15 : memref<80xi32, #tpu.memory_space<vmem>>)
      %eq3A_79 = arith.constant 0 : i32
      %eq3A_80 = arith.cmpi eq, %arg0, %eq3A_79 : i32
      %convert_element_type3A_81 = arith.extui %eq3A_80 : i1 to i32
      %cond3A_82 = arith.constant 0 : i32
      %cond3A_83 = arith.cmpi ne, %convert_element_type3A_81, %cond3A_82 : i32
      scf.if %cond3A_83 {
        %dma_start3A_107 = arith.constant 0 : i32
        %dma_start3A_108 = tpu.memref_slice %arg2[%add3A, %dma_start3A_107] : memref<320000x64xf32, #tpu.memory_space<hbm>> -> memref<80x64xf32, #tpu.memory_space<hbm>>
        %dma_start3A_109 = arith.constant 0 : i32
        %dma_start3A_110 = tpu.memref_slice %arg2[%add3A, %dma_start3A_109] : memref<320000x64xf32, #tpu.memory_space<hbm>> -> memref<80x64xf32, #tpu.memory_space<hbm>>
        tpu.enqueue_dma source(%dma_start3A_110 : memref<80x64xf32, #tpu.memory_space<hbm>>) target(%arg18 : memref<80x64xf32, #tpu.memory_space<vmem>>) target_semaphore(%arg22 : memref<!tpu.dma_semaphore, #tpu.memory_space<semaphore_mem>>)
        %dma_start3A_111 = arith.constant 0 : i32
        %dma_start3A_112 = arith.constant 0 : i32
        %dma_start3A_113 = tpu.memref_slice %arg4[%dma_start3A_111, %dma_start3A_112] : memref<10000x128xf32, #tpu.memory_space<hbm>> -> memref<10000x128xf32, #tpu.memory_space<hbm>>
        tpu.enqueue_indirect_dma source(%dma_start3A_113 : memref<10000x128xf32, #tpu.memory_space<hbm>>) target(%arg16 : memref<80x128xf32, #tpu.memory_space<vmem>>) offsets(%arg14 : memref<80xi32, #tpu.memory_space<vmem>>) semaphore(%arg22 : memref<!tpu.dma_semaphore, #tpu.memory_space<semaphore_mem>>)
        %dma_start3A_114 = arith.constant 0 : i32
        %dma_start3A_115 = arith.constant 0 : i32
        %dma_start3A_116 = tpu.memref_slice %arg5[%dma_start3A_114, %dma_start3A_115] : memref<10000x128xf32, #tpu.memory_space<hbm>> -> memref<10000x128xf32, #tpu.memory_space<hbm>>
        tpu.enqueue_indirect_dma source(%dma_start3A_116 : memref<10000x128xf32, #tpu.memory_space<hbm>>) target(%arg17 : memref<80x128xf32, #tpu.memory_space<vmem>>) offsets(%arg15 : memref<80xi32, #tpu.memory_space<vmem>>) semaphore(%arg22 : memref<!tpu.dma_semaphore, #tpu.memory_space<semaphore_mem>>)
        %dma_wait3A_117 = arith.constant 0 : i32
        %dma_wait3A_118 = tpu.memref_slice %arg2[%add3A, %dma_wait3A_117] : memref<320000x64xf32, #tpu.memory_space<hbm>> -> memref<80x64xf32, #tpu.memory_space<hbm>>
        %dma_wait3A_119 = arith.constant 0 : i32
        %dma_wait3A_120 = tpu.memref_slice %arg2[%add3A, %dma_wait3A_119] : memref<320000x64xf32, #tpu.memory_space<hbm>> -> memref<80x64xf32, #tpu.memory_space<hbm>>
        tpu.wait_dma2 semaphore(%arg22 : memref<!tpu.dma_semaphore, #tpu.memory_space<semaphore_mem>>) src(%dma_wait3A_120 : memref<80x64xf32, #tpu.memory_space<hbm>>) dst(%arg18 : memref<80x64xf32, #tpu.memory_space<vmem>>)
        %dma_wait3A_121 = arith.constant 0 : i32
        %dma_wait3A_122 = arith.constant 0 : i32
        %dma_wait3A_123 = tpu.memref_slice %arg4[%dma_wait3A_121, %dma_wait3A_122] : memref<10000x128xf32, #tpu.memory_space<hbm>> -> memref<10000x128xf32, #tpu.memory_space<hbm>>
        tpu.wait_indirect_dma semaphore(%arg22 : memref<!tpu.dma_semaphore, #tpu.memory_space<semaphore_mem>>) src(%dma_wait3A_123 : memref<10000x128xf32, #tpu.memory_space<hbm>>) dst(%arg16 : memref<80x128xf32, #tpu.memory_space<vmem>>)
        %dma_wait3A_124 = arith.constant 0 : i32
        %dma_wait3A_125 = arith.constant 0 : i32
        %dma_wait3A_126 = tpu.memref_slice %arg5[%dma_wait3A_124, %dma_wait3A_125] : memref<10000x128xf32, #tpu.memory_space<hbm>> -> memref<10000x128xf32, #tpu.memory_space<hbm>>
        tpu.wait_indirect_dma semaphore(%arg22 : memref<!tpu.dma_semaphore, #tpu.memory_space<semaphore_mem>>) src(%dma_wait3A_126 : memref<10000x128xf32, #tpu.memory_space<hbm>>) dst(%arg17 : memref<80x128xf32, #tpu.memory_space<vmem>>)
      } else {
      }
      %eq3A_84 = arith.constant 1 : i32
      %eq3A_85 = arith.cmpi eq, %arg0, %eq3A_84 : i32
      %convert_element_type3A_86 = arith.extui %eq3A_85 : i1 to i32
      %cond3A_87 = arith.constant 0 : i32
      %cond3A_88 = arith.cmpi ne, %convert_element_type3A_86, %cond3A_87 : i32
      scf.if %cond3A_88 {
        %dma_start3A_107 = arith.constant 0 : i32
        %dma_start3A_108 = tpu.memref_slice %arg3[%add3A, %dma_start3A_107] : memref<320000x64xf32, #tpu.memory_space<hbm>> -> memref<80x64xf32, #tpu.memory_space<hbm>>
        %dma_start3A_109 = arith.constant 0 : i32
        %dma_start3A_110 = tpu.memref_slice %arg3[%add3A, %dma_start3A_109] : memref<320000x64xf32, #tpu.memory_space<hbm>> -> memref<80x64xf32, #tpu.memory_space<hbm>>
        tpu.enqueue_dma source(%dma_start3A_110 : memref<80x64xf32, #tpu.memory_space<hbm>>) target(%arg18 : memref<80x64xf32, #tpu.memory_space<vmem>>) target_semaphore(%arg22 : memref<!tpu.dma_semaphore, #tpu.memory_space<semaphore_mem>>)
        %dma_start3A_111 = arith.constant 0 : i32
        %dma_start3A_112 = arith.constant 0 : i32
        %dma_start3A_113 = tpu.memref_slice %arg4[%dma_start3A_111, %dma_start3A_112] : memref<10000x128xf32, #tpu.memory_space<hbm>> -> memref<10000x128xf32, #tpu.memory_space<hbm>>
        tpu.enqueue_indirect_dma source(%dma_start3A_113 : memref<10000x128xf32, #tpu.memory_space<hbm>>) target(%arg16 : memref<80x128xf32, #tpu.memory_space<vmem>>) offsets(%arg14 : memref<80xi32, #tpu.memory_space<vmem>>) semaphore(%arg22 : memref<!tpu.dma_semaphore, #tpu.memory_space<semaphore_mem>>)
        %dma_start3A_114 = arith.constant 0 : i32
        %dma_start3A_115 = arith.constant 0 : i32
        %dma_start3A_116 = tpu.memref_slice %arg6[%dma_start3A_114, %dma_start3A_115] : memref<10000x128xf32, #tpu.memory_space<hbm>> -> memref<10000x128xf32, #tpu.memory_space<hbm>>
        tpu.enqueue_indirect_dma source(%dma_start3A_116 : memref<10000x128xf32, #tpu.memory_space<hbm>>) target(%arg17 : memref<80x128xf32, #tpu.memory_space<vmem>>) offsets(%arg15 : memref<80xi32, #tpu.memory_space<vmem>>) semaphore(%arg22 : memref<!tpu.dma_semaphore, #tpu.memory_space<semaphore_mem>>)
        %dma_wait3A_117 = arith.constant 0 : i32
        %dma_wait3A_118 = tpu.memref_slice %arg3[%add3A, %dma_wait3A_117] : memref<320000x64xf32, #tpu.memory_space<hbm>> -> memref<80x64xf32, #tpu.memory_space<hbm>>
        %dma_wait3A_119 = arith.constant 0 : i32
        %dma_wait3A_120 = tpu.memref_slice %arg3[%add3A, %dma_wait3A_119] : memref<320000x64xf32, #tpu.memory_space<hbm>> -> memref<80x64xf32, #tpu.memory_space<hbm>>
        tpu.wait_dma2 semaphore(%arg22 : memref<!tpu.dma_semaphore, #tpu.memory_space<semaphore_mem>>) src(%dma_wait3A_120 : memref<80x64xf32, #tpu.memory_space<hbm>>) dst(%arg18 : memref<80x64xf32, #tpu.memory_space<vmem>>)
        %dma_wait3A_121 = arith.constant 0 : i32
        %dma_wait3A_122 = arith.constant 0 : i32
        %dma_wait3A_123 = tpu.memref_slice %arg4[%dma_wait3A_121, %dma_wait3A_122] : memref<10000x128xf32, #tpu.memory_space<hbm>> -> memref<10000x128xf32, #tpu.memory_space<hbm>>
        tpu.wait_indirect_dma semaphore(%arg22 : memref<!tpu.dma_semaphore, #tpu.memory_space<semaphore_mem>>) src(%dma_wait3A_123 : memref<10000x128xf32, #tpu.memory_space<hbm>>) dst(%arg16 : memref<80x128xf32, #tpu.memory_space<vmem>>)
        %dma_wait3A_124 = arith.constant 0 : i32
        %dma_wait3A_125 = arith.constant 0 : i32
        %dma_wait3A_126 = tpu.memref_slice %arg6[%dma_wait3A_124, %dma_wait3A_125] : memref<10000x128xf32, #tpu.memory_space<hbm>> -> memref<10000x128xf32, #tpu.memory_space<hbm>>
        tpu.wait_indirect_dma semaphore(%arg22 : memref<!tpu.dma_semaphore, #tpu.memory_space<semaphore_mem>>) src(%dma_wait3A_126 : memref<10000x128xf32, #tpu.memory_space<hbm>>) dst(%arg17 : memref<80x128xf32, #tpu.memory_space<vmem>>)
      } else {
      }
      %mul3A_89 = arith.constant 64 : i32
      %mul3A_90 = arith.muli %arg0, %mul3A_89 : i32
      %scan3A_91 = arith.constant 0 : i32
      %scan3A_92 = arith.constant 80 : i32
      %scan3A_93 = arith.addi %scan3A_91, %scan3A_92 : i32
      %scan3A_94 = arith.constant 1 : i32
      %scan3A_95:8 = scf.for %scan3A_107 = %scan3A_91 to %scan3A_93 step %scan3A_94 iter_args(%scan3A_108 = %scan3A_63, %scan3A_109 = %scan3A_64, %scan3A_110 = %scan3A_65, %scan3A_111 = %scan3A_66, %scan3A_112 = %scan3A_67, %scan3A_113 = %scan3A_68, %scan3A_114 = %scan3A_69, %scan3A_115 = %scan3A_70) -> (vector<16xf32>, vector<16xf32>, vector<16xf32>, vector<16xf32>, vector<16xf32>, vector<16xf32>, vector<16xf32>, vector<16xf32>)  : i32 {
        %get3A = arith.index_cast %scan3A_107 : i32 to index
        %get3A_116 = arith.constant 0 : index
        %get3A_117 = tpu.vector_load %arg18[%get3A, %get3A_116] {strides = array<i32>} : memref<80x64xf32, #tpu.memory_space<vmem>>, vector<1x16xf32>,
        %get3A_118 = vector.shape_cast %get3A_117 : vector<1x16xf32> to vector<16xf32>
        %add3A_119 = arith.constant 0 : i32
        %add3A_120 = arith.addi %mul3A_90, %add3A_119 : i32
        %get3A_121 = arith.index_cast %scan3A_107 : i32 to index
        %get3A_122 = arith.index_cast %add3A_120 : i32 to index
        %get3A_123 = tpu.vector_load %arg16[%get3A_121, %get3A_122] {strides = array<i32>} : memref<80x128xf32, #tpu.memory_space<vmem>>, vector<1x16xf32>,
        %get3A_124 = vector.shape_cast %get3A_123 : vector<1x16xf32> to vector<16xf32>
        %add3A_125 = arith.addf %get3A_118, %get3A_124 : vector<16xf32>
        %get3A_126 = arith.index_cast %scan3A_107 : i32 to index
        %get3A_127 = arith.constant 0 : index
        %get3A_128 = tpu.vector_load %arg17[%get3A_126, %get3A_127] {strides = array<i32>} : memref<80x128xf32, #tpu.memory_space<vmem>>, vector<1x16xf32>,
        %get3A_129 = vector.shape_cast %get3A_128 : vector<1x16xf32> to vector<16xf32>
        %add3A_130 = arith.addf %add3A_125, %get3A_129 : vector<16xf32>
        %swap3A_131 = arith.index_cast %scan3A_107 : i32 to index
        %swap3A_132 = arith.constant 0 : index
        %swap3A_133 = tpu.vector_load %arg18[%swap3A_131, %swap3A_132] {strides = array<i32>} : memref<80x64xf32, #tpu.memory_space<vmem>>, vector<1x16xf32>,
        %swap3A_134 = vector.shape_cast %swap3A_133 : vector<1x16xf32> to vector<16xf32>
        %swap3A_135 = vector.shape_cast %add3A_130 : vector<16xf32> to vector<1x16xf32>
        tpu.vector_store %arg18[%swap3A_131, %swap3A_132], %swap3A_135 {strides = array<i32>} : memref<80x64xf32, #tpu.memory_space<vmem>>, vector<1x16xf32>,
        %neg3A = arith.constant 0.000000e+00 : f32
        %neg3A_136 = vector.broadcast %neg3A : f32 to vector<16xf32>
        %neg3A_137 = arith.subf %neg3A_136, %add3A_130 : vector<16xf32>
        %exp3A = math.exp %neg3A_137 : vector<16xf32>
        %add3A_138 = arith.constant 1.000000e+00 : f32
        %add3A_139 = vector.broadcast %add3A_138 : f32 to vector<16xf32>
        %add3A_140 = arith.addf %add3A_139, %exp3A : vector<16xf32>
        %div3A = arith.constant 1.000000e+00 : f32
        %div3A_141 = vector.broadcast %div3A : f32 to vector<16xf32>
        %div3A_142 = arith.divf %div3A_141, %add3A_140 : vector<16xf32>
        %swap3A_143 = arith.index_cast %scan3A_107 : i32 to index
        %swap3A_144 = arith.constant 64 : index
        %swap3A_145 = tpu.vector_load %arg19[%swap3A_143, %swap3A_144] {strides = array<i32>} : memref<80x128xf32, #tpu.memory_space<vmem>>, vector<1x16xf32>,
        %swap3A_146 = vector.shape_cast %swap3A_145 : vector<1x16xf32> to vector<16xf32>
        %swap3A_147 = vector.shape_cast %div3A_142 : vector<16xf32> to vector<1x16xf32>
        tpu.vector_store %arg19[%swap3A_143, %swap3A_144], %swap3A_147 {strides = array<i32>} : memref<80x128xf32, #tpu.memory_space<vmem>>, vector<1x16xf32>,
        %get3A_148 = arith.index_cast %scan3A_107 : i32 to index
        %get3A_149 = arith.constant 64 : index
        %get3A_150 = tpu.vector_load %arg17[%get3A_148, %get3A_149] {strides = array<i32>} : memref<80x128xf32, #tpu.memory_space<vmem>>, vector<1x16xf32>,
        %get3A_151 = vector.shape_cast %get3A_150 : vector<1x16xf32> to vector<16xf32>
        %mul3A_152 = arith.mulf %div3A_142, %get3A_151 : vector<16xf32>
        %swap3A_153 = arith.index_cast %scan3A_107 : i32 to index
        %swap3A_154 = arith.constant 0 : index
        %swap3A_155 = tpu.vector_load %arg19[%swap3A_153, %swap3A_154] {strides = array<i32>} : memref<80x128xf32, #tpu.memory_space<vmem>>, vector<1x16xf32>,
        %swap3A_156 = vector.shape_cast %swap3A_155 : vector<1x16xf32> to vector<16xf32>
        %swap3A_157 = vector.shape_cast %mul3A_152 : vector<16xf32> to vector<1x16xf32>
        tpu.vector_store %arg19[%swap3A_153, %swap3A_154], %swap3A_157 {strides = array<i32>} : memref<80x128xf32, #tpu.memory_space<vmem>>, vector<1x16xf32>,
        %add3A_158 = arith.addf %scan3A_108, %add3A_130 : vector<16xf32>
        %mul3A_159 = arith.mulf %add3A_130, %add3A_130 : vector<16xf32>
        %add3A_160 = arith.addf %scan3A_112, %mul3A_159 : vector<16xf32>
        %get3A_161 = arith.index_cast %scan3A_107 : i32 to index
        %get3A_162 = arith.constant 16 : index
        %get3A_163 = tpu.vector_load %arg18[%get3A_161, %get3A_162] {strides = array<i32>} : memref<80x64xf32, #tpu.memory_space<vmem>>, vector<1x16xf32>,
        %get3A_164 = vector.shape_cast %get3A_163 : vector<1x16xf32> to vector<16xf32>
        %add3A_165 = arith.constant 16 : i32
        %add3A_166 = arith.addi %mul3A_90, %add3A_165 : i32
        %get3A_167 = arith.index_cast %scan3A_107 : i32 to index
        %get3A_168 = arith.index_cast %add3A_166 : i32 to index
        %get3A_169 = tpu.vector_load %arg16[%get3A_167, %get3A_168] {strides = array<i32>} : memref<80x128xf32, #tpu.memory_space<vmem>>, vector<1x16xf32>,
        %get3A_170 = vector.shape_cast %get3A_169 : vector<1x16xf32> to vector<16xf32>
        %add3A_171 = arith.addf %get3A_164, %get3A_170 : vector<16xf32>
        %get3A_172 = arith.index_cast %scan3A_107 : i32 to index
        %get3A_173 = arith.constant 16 : index
        %get3A_174 = tpu.vector_load %arg17[%get3A_172, %get3A_173] {strides = array<i32>} : memref<80x128xf32, #tpu.memory_space<vmem>>, vector<1x16xf32>,
        %get3A_175 = vector.shape_cast %get3A_174 : vector<1x16xf32> to vector<16xf32>
        %add3A_176 = arith.addf %add3A_171, %get3A_175 : vector<16xf32>
        %swap3A_177 = arith.index_cast %scan3A_107 : i32 to index
        %swap3A_178 = arith.constant 16 : index
        %swap3A_179 = tpu.vector_load %arg18[%swap3A_177, %swap3A_178] {strides = array<i32>} : memref<80x64xf32, #tpu.memory_space<vmem>>, vector<1x16xf32>,
        %swap3A_180 = vector.shape_cast %swap3A_179 : vector<1x16xf32> to vector<16xf32>
        %swap3A_181 = vector.shape_cast %add3A_176 : vector<16xf32> to vector<1x16xf32>
        tpu.vector_store %arg18[%swap3A_177, %swap3A_178], %swap3A_181 {strides = array<i32>} : memref<80x64xf32, #tpu.memory_space<vmem>>, vector<1x16xf32>,
        %neg3A_182 = arith.constant 0.000000e+00 : f32
        %neg3A_183 = vector.broadcast %neg3A_182 : f32 to vector<16xf32>
        %neg3A_184 = arith.subf %neg3A_183, %add3A_176 : vector<16xf32>
        %exp3A_185 = math.exp %neg3A_184 : vector<16xf32>
        %add3A_186 = arith.constant 1.000000e+00 : f32
        %add3A_187 = vector.broadcast %add3A_186 : f32 to vector<16xf32>
        %add3A_188 = arith.addf %add3A_187, %exp3A_185 : vector<16xf32>
        %div3A_189 = arith.constant 1.000000e+00 : f32
        %div3A_190 = vector.broadcast %div3A_189 : f32 to vector<16xf32>
        %div3A_191 = arith.divf %div3A_190, %add3A_188 : vector<16xf32>
        %swap3A_192 = arith.index_cast %scan3A_107 : i32 to index
        %swap3A_193 = arith.constant 80 : index
        %swap3A_194 = tpu.vector_load %arg19[%swap3A_192, %swap3A_193] {strides = array<i32>} : memref<80x128xf32, #tpu.memory_space<vmem>>, vector<1x16xf32>,
        %swap3A_195 = vector.shape_cast %swap3A_194 : vector<1x16xf32> to vector<16xf32>
        %swap3A_196 = vector.shape_cast %div3A_191 : vector<16xf32> to vector<1x16xf32>
        tpu.vector_store %arg19[%swap3A_192, %swap3A_193], %swap3A_196 {strides = array<i32>} : memref<80x128xf32, #tpu.memory_space<vmem>>, vector<1x16xf32>,
        %get3A_197 = arith.index_cast %scan3A_107 : i32 to index
        %get3A_198 = arith.constant 80 : index
        %get3A_199 = tpu.vector_load %arg17[%get3A_197, %get3A_198] {strides = array<i32>} : memref<80x128xf32, #tpu.memory_space<vmem>>, vector<1x16xf32>,
        %get3A_200 = vector.shape_cast %get3A_199 : vector<1x16xf32> to vector<16xf32>
        %mul3A_201 = arith.mulf %div3A_191, %get3A_200 : vector<16xf32>
        %swap3A_202 = arith.index_cast %scan3A_107 : i32 to index
        %swap3A_203 = arith.constant 16 : index
        %swap3A_204 = tpu.vector_load %arg19[%swap3A_202, %swap3A_203] {strides = array<i32>} : memref<80x128xf32, #tpu.memory_space<vmem>>, vector<1x16xf32>,
        %swap3A_205 = vector.shape_cast %swap3A_204 : vector<1x16xf32> to vector<16xf32>
        %swap3A_206 = vector.shape_cast %mul3A_201 : vector<16xf32> to vector<1x16xf32>
        tpu.vector_store %arg19[%swap3A_202, %swap3A_203], %swap3A_206 {strides = array<i32>} : memref<80x128xf32, #tpu.memory_space<vmem>>, vector<1x16xf32>,
        %add3A_207 = arith.addf %scan3A_109, %add3A_176 : vector<16xf32>
        %mul3A_208 = arith.mulf %add3A_176, %add3A_176 : vector<16xf32>
        %add3A_209 = arith.addf %scan3A_113, %mul3A_208 : vector<16xf32>
        %get3A_210 = arith.index_cast %scan3A_107 : i32 to index
        %get3A_211 = arith.constant 32 : index
        %get3A_212 = tpu.vector_load %arg18[%get3A_210, %get3A_211] {strides = array<i32>} : memref<80x64xf32, #tpu.memory_space<vmem>>, vector<1x16xf32>,
        %get3A_213 = vector.shape_cast %get3A_212 : vector<1x16xf32> to vector<16xf32>
        %add3A_214 = arith.constant 32 : i32
        %add3A_215 = arith.addi %mul3A_90, %add3A_214 : i32
        %get3A_216 = arith.index_cast %scan3A_107 : i32 to index
        %get3A_217 = arith.index_cast %add3A_215 : i32 to index
        %get3A_218 = tpu.vector_load %arg16[%get3A_216, %get3A_217] {strides = array<i32>} : memref<80x128xf32, #tpu.memory_space<vmem>>, vector<1x16xf32>,
        %get3A_219 = vector.shape_cast %get3A_218 : vector<1x16xf32> to vector<16xf32>
        %add3A_220 = arith.addf %get3A_213, %get3A_219 : vector<16xf32>
        %get3A_221 = arith.index_cast %scan3A_107 : i32 to index
        %get3A_222 = arith.constant 32 : index
        %get3A_223 = tpu.vector_load %arg17[%get3A_221, %get3A_222] {strides = array<i32>} : memref<80x128xf32, #tpu.memory_space<vmem>>, vector<1x16xf32>,
        %get3A_224 = vector.shape_cast %get3A_223 : vector<1x16xf32> to vector<16xf32>
        %add3A_225 = arith.addf %add3A_220, %get3A_224 : vector<16xf32>
        %swap3A_226 = arith.index_cast %scan3A_107 : i32 to index
        %swap3A_227 = arith.constant 32 : index
        %swap3A_228 = tpu.vector_load %arg18[%swap3A_226, %swap3A_227] {strides = array<i32>} : memref<80x64xf32, #tpu.memory_space<vmem>>, vector<1x16xf32>,
        %swap3A_229 = vector.shape_cast %swap3A_228 : vector<1x16xf32> to vector<16xf32>
        %swap3A_230 = vector.shape_cast %add3A_225 : vector<16xf32> to vector<1x16xf32>
        tpu.vector_store %arg18[%swap3A_226, %swap3A_227], %swap3A_230 {strides = array<i32>} : memref<80x64xf32, #tpu.memory_space<vmem>>, vector<1x16xf32>,
        %neg3A_231 = arith.constant 0.000000e+00 : f32
        %neg3A_232 = vector.broadcast %neg3A_231 : f32 to vector<16xf32>
        %neg3A_233 = arith.subf %neg3A_232, %add3A_225 : vector<16xf32>
        %exp3A_234 = math.exp %neg3A_233 : vector<16xf32>
        %add3A_235 = arith.constant 1.000000e+00 : f32
        %add3A_236 = vector.broadcast %add3A_235 : f32 to vector<16xf32>
        %add3A_237 = arith.addf %add3A_236, %exp3A_234 : vector<16xf32>
        %div3A_238 = arith.constant 1.000000e+00 : f32
        %div3A_239 = vector.broadcast %div3A_238 : f32 to vector<16xf32>
        %div3A_240 = arith.divf %div3A_239, %add3A_237 : vector<16xf32>
        %swap3A_241 = arith.index_cast %scan3A_107 : i32 to index
        %swap3A_242 = arith.constant 96 : index
        %swap3A_243 = tpu.vector_load %arg19[%swap3A_241, %swap3A_242] {strides = array<i32>} : memref<80x128xf32, #tpu.memory_space<vmem>>, vector<1x16xf32>,
        %swap3A_244 = vector.shape_cast %swap3A_243 : vector<1x16xf32> to vector<16xf32>
        %swap3A_245 = vector.shape_cast %div3A_240 : vector<16xf32> to vector<1x16xf32>
        tpu.vector_store %arg19[%swap3A_241, %swap3A_242], %swap3A_245 {strides = array<i32>} : memref<80x128xf32, #tpu.memory_space<vmem>>, vector<1x16xf32>,
        %get3A_246 = arith.index_cast %scan3A_107 : i32 to index
        %get3A_247 = arith.constant 96 : index
        %get3A_248 = tpu.vector_load %arg17[%get3A_246, %get3A_247] {strides = array<i32>} : memref<80x128xf32, #tpu.memory_space<vmem>>, vector<1x16xf32>,
        %get3A_249 = vector.shape_cast %get3A_248 : vector<1x16xf32> to vector<16xf32>
        %mul3A_250 = arith.mulf %div3A_240, %get3A_249 : vector<16xf32>
        %swap3A_251 = arith.index_cast %scan3A_107 : i32 to index
        %swap3A_252 = arith.constant 32 : index
        %swap3A_253 = tpu.vector_load %arg19[%swap3A_251, %swap3A_252] {strides = array<i32>} : memref<80x128xf32, #tpu.memory_space<vmem>>, vector<1x16xf32>,
        %swap3A_254 = vector.shape_cast %swap3A_253 : vector<1x16xf32> to vector<16xf32>
        %swap3A_255 = vector.shape_cast %mul3A_250 : vector<16xf32> to vector<1x16xf32>
        tpu.vector_store %arg19[%swap3A_251, %swap3A_252], %swap3A_255 {strides = array<i32>} : memref<80x128xf32, #tpu.memory_space<vmem>>, vector<1x16xf32>,
        %add3A_256 = arith.addf %scan3A_110, %add3A_225 : vector<16xf32>
        %mul3A_257 = arith.mulf %add3A_225, %add3A_225 : vector<16xf32>
        %add3A_258 = arith.addf %scan3A_114, %mul3A_257 : vector<16xf32>
        %get3A_259 = arith.index_cast %scan3A_107 : i32 to index
        %get3A_260 = arith.constant 48 : index
        %get3A_261 = tpu.vector_load %arg18[%get3A_259, %get3A_260] {strides = array<i32>} : memref<80x64xf32, #tpu.memory_space<vmem>>, vector<1x16xf32>,
        %get3A_262 = vector.shape_cast %get3A_261 : vector<1x16xf32> to vector<16xf32>
        %add3A_263 = arith.constant 48 : i32
        %add3A_264 = arith.addi %mul3A_90, %add3A_263 : i32
        %get3A_265 = arith.index_cast %scan3A_107 : i32 to index
        %get3A_266 = arith.index_cast %add3A_264 : i32 to index
        %get3A_267 = tpu.vector_load %arg16[%get3A_265, %get3A_266] {strides = array<i32>} : memref<80x128xf32, #tpu.memory_space<vmem>>, vector<1x16xf32>,
        %get3A_268 = vector.shape_cast %get3A_267 : vector<1x16xf32> to vector<16xf32>
        %add3A_269 = arith.addf %get3A_262, %get3A_268 : vector<16xf32>
        %get3A_270 = arith.index_cast %scan3A_107 : i32 to index
        %get3A_271 = arith.constant 48 : index
        %get3A_272 = tpu.vector_load %arg17[%get3A_270, %get3A_271] {strides = array<i32>} : memref<80x128xf32, #tpu.memory_space<vmem>>, vector<1x16xf32>,
        %get3A_273 = vector.shape_cast %get3A_272 : vector<1x16xf32> to vector<16xf32>
        %add3A_274 = arith.addf %add3A_269, %get3A_273 : vector<16xf32>
        %swap3A_275 = arith.index_cast %scan3A_107 : i32 to index
        %swap3A_276 = arith.constant 48 : index
        %swap3A_277 = tpu.vector_load %arg18[%swap3A_275, %swap3A_276] {strides = array<i32>} : memref<80x64xf32, #tpu.memory_space<vmem>>, vector<1x16xf32>,
        %swap3A_278 = vector.shape_cast %swap3A_277 : vector<1x16xf32> to vector<16xf32>
        %swap3A_279 = vector.shape_cast %add3A_274 : vector<16xf32> to vector<1x16xf32>
        tpu.vector_store %arg18[%swap3A_275, %swap3A_276], %swap3A_279 {strides = array<i32>} : memref<80x64xf32, #tpu.memory_space<vmem>>, vector<1x16xf32>,
        %neg3A_280 = arith.constant 0.000000e+00 : f32
        %neg3A_281 = vector.broadcast %neg3A_280 : f32 to vector<16xf32>
        %neg3A_282 = arith.subf %neg3A_281, %add3A_274 : vector<16xf32>
        %exp3A_283 = math.exp %neg3A_282 : vector<16xf32>
        %add3A_284 = arith.constant 1.000000e+00 : f32
        %add3A_285 = vector.broadcast %add3A_284 : f32 to vector<16xf32>
        %add3A_286 = arith.addf %add3A_285, %exp3A_283 : vector<16xf32>
        %div3A_287 = arith.constant 1.000000e+00 : f32
        %div3A_288 = vector.broadcast %div3A_287 : f32 to vector<16xf32>
        %div3A_289 = arith.divf %div3A_288, %add3A_286 : vector<16xf32>
        %swap3A_290 = arith.index_cast %scan3A_107 : i32 to index
        %swap3A_291 = arith.constant 112 : index
        %swap3A_292 = tpu.vector_load %arg19[%swap3A_290, %swap3A_291] {strides = array<i32>} : memref<80x128xf32, #tpu.memory_space<vmem>>, vector<1x16xf32>,
        %swap3A_293 = vector.shape_cast %swap3A_292 : vector<1x16xf32> to vector<16xf32>
        %swap3A_294 = vector.shape_cast %div3A_289 : vector<16xf32> to vector<1x16xf32>
        tpu.vector_store %arg19[%swap3A_290, %swap3A_291], %swap3A_294 {strides = array<i32>} : memref<80x128xf32, #tpu.memory_space<vmem>>, vector<1x16xf32>,
        %get3A_295 = arith.index_cast %scan3A_107 : i32 to index
        %get3A_296 = arith.constant 112 : index
        %get3A_297 = tpu.vector_load %arg17[%get3A_295, %get3A_296] {strides = array<i32>} : memref<80x128xf32, #tpu.memory_space<vmem>>, vector<1x16xf32>,
        %get3A_298 = vector.shape_cast %get3A_297 : vector<1x16xf32> to vector<16xf32>
        %mul3A_299 = arith.mulf %div3A_289, %get3A_298 : vector<16xf32>
        %swap3A_300 = arith.index_cast %scan3A_107 : i32 to index
        %swap3A_301 = arith.constant 48 : index
        %swap3A_302 = tpu.vector_load %arg19[%swap3A_300, %swap3A_301] {strides = array<i32>} : memref<80x128xf32, #tpu.memory_space<vmem>>, vector<1x16xf32>,
        %swap3A_303 = vector.shape_cast %swap3A_302 : vector<1x16xf32> to vector<16xf32>
        %swap3A_304 = vector.shape_cast %mul3A_299 : vector<16xf32> to vector<1x16xf32>
        tpu.vector_store %arg19[%swap3A_300, %swap3A_301], %swap3A_304 {strides = array<i32>} : memref<80x128xf32, #tpu.memory_space<vmem>>, vector<1x16xf32>,
        %add3A_305 = arith.addf %scan3A_111, %add3A_274 : vector<16xf32>
        %mul3A_306 = arith.mulf %add3A_274, %add3A_274 : vector<16xf32>
        %add3A_307 = arith.addf %scan3A_115, %mul3A_306 : vector<16xf32>
        scf.yield %add3A_158, %add3A_207, %add3A_256, %add3A_305, %add3A_160, %add3A_209, %add3A_258, %add3A_307 : vector<16xf32>, vector<16xf32>, vector<16xf32>, vector<16xf32>, vector<16xf32>, vector<16xf32>, vector<16xf32>, vector<16xf32>
      }
      %scan3A_96 = arith.constant 80 : i32
      %eq3A_97 = arith.constant 0 : i32
      %eq3A_98 = arith.cmpi eq, %arg0, %eq3A_97 : i32
      %convert_element_type3A_99 = arith.extui %eq3A_98 : i1 to i32
      %cond3A_100 = arith.constant 0 : i32
      %cond3A_101 = arith.cmpi ne, %convert_element_type3A_99, %cond3A_100 : i32
      scf.if %cond3A_101 {
        "tpu.region"() ({
          %run_scoped3A = tpu.sem_alloc : memref<!tpu.dma_semaphore, #tpu.memory_space<semaphore_mem>>
          %dma_start3A_107 = arith.constant 0 : i32
          %dma_start3A_108 = tpu.memref_slice %arg10[%add3A, %dma_start3A_107] : memref<320000x64xf32, #tpu.memory_space<hbm>> -> memref<80x64xf32, #tpu.memory_space<hbm>>
          %dma_start3A_109 = arith.constant 0 : i32
          %dma_start3A_110 = tpu.memref_slice %arg10[%add3A, %dma_start3A_109] : memref<320000x64xf32, #tpu.memory_space<hbm>> -> memref<80x64xf32, #tpu.memory_space<hbm>>
          tpu.enqueue_dma source(%arg18 : memref<80x64xf32, #tpu.memory_space<vmem>>) target(%dma_start3A_110 : memref<80x64xf32, #tpu.memory_space<hbm>>) target_semaphore(%run_scoped3A : memref<!tpu.dma_semaphore, #tpu.memory_space<semaphore_mem>>)
          %dma_wait3A_111 = arith.constant 0 : i32
          %dma_wait3A_112 = tpu.memref_slice %arg10[%add3A, %dma_wait3A_111] : memref<320000x64xf32, #tpu.memory_space<hbm>> -> memref<80x64xf32, #tpu.memory_space<hbm>>
          %dma_wait3A_113 = arith.constant 0 : i32
          %dma_wait3A_114 = tpu.memref_slice %arg10[%add3A, %dma_wait3A_113] : memref<320000x64xf32, #tpu.memory_space<hbm>> -> memref<80x64xf32, #tpu.memory_space<hbm>>
          tpu.wait_dma2 semaphore(%run_scoped3A : memref<!tpu.dma_semaphore, #tpu.memory_space<semaphore_mem>>) src(%arg18 : memref<80x64xf32, #tpu.memory_space<vmem>>) dst(%dma_wait3A_114 : memref<80x64xf32, #tpu.memory_space<hbm>>)
          tpu.yield
        }) : () -> ()
      } else {
      }
      %eq3A_102 = arith.constant 1 : i32
      %eq3A_103 = arith.cmpi eq, %arg0, %eq3A_102 : i32
      %convert_element_type3A_104 = arith.extui %eq3A_103 : i1 to i32
      %cond3A_105 = arith.constant 0 : i32
      %cond3A_106 = arith.cmpi ne, %convert_element_type3A_104, %cond3A_105 : i32
      scf.if %cond3A_106 {
        "tpu.region"() ({
          %run_scoped3A = tpu.sem_alloc : memref<!tpu.dma_semaphore, #tpu.memory_space<semaphore_mem>>
          %dma_start3A_107 = arith.constant 0 : i32
          %dma_start3A_108 = tpu.memref_slice %arg11[%add3A, %dma_start3A_107] : memref<320000x64xf32, #tpu.memory_space<hbm>> -> memref<80x64xf32, #tpu.memory_space<hbm>>
          %dma_start3A_109 = arith.constant 0 : i32
          %dma_start3A_110 = tpu.memref_slice %arg11[%add3A, %dma_start3A_109] : memref<320000x64xf32, #tpu.memory_space<hbm>> -> memref<80x64xf32, #tpu.memory_space<hbm>>
          tpu.enqueue_dma source(%arg18 : memref<80x64xf32, #tpu.memory_space<vmem>>) target(%dma_start3A_110 : memref<80x64xf32, #tpu.memory_space<hbm>>) target_semaphore(%run_scoped3A : memref<!tpu.dma_semaphore, #tpu.memory_space<semaphore_mem>>)
          %dma_wait3A_111 = arith.constant 0 : i32
          %dma_wait3A_112 = tpu.memref_slice %arg11[%add3A, %dma_wait3A_111] : memref<320000x64xf32, #tpu.memory_space<hbm>> -> memref<80x64xf32, #tpu.memory_space<hbm>>
          %dma_wait3A_113 = arith.constant 0 : i32
          %dma_wait3A_114 = tpu.memref_slice %arg11[%add3A, %dma_wait3A_113] : memref<320000x64xf32, #tpu.memory_space<hbm>> -> memref<80x64xf32, #tpu.memory_space<hbm>>
          tpu.wait_dma2 semaphore(%run_scoped3A : memref<!tpu.dma_semaphore, #tpu.memory_space<semaphore_mem>>) src(%arg18 : memref<80x64xf32, #tpu.memory_space<vmem>>) dst(%dma_wait3A_114 : memref<80x64xf32, #tpu.memory_space<hbm>>)
          tpu.yield
        }) : () -> ()
      } else {
      }
      "tpu.region"() ({
        %run_scoped3A = tpu.sem_alloc : memref<!tpu.dma_semaphore, #tpu.memory_space<semaphore_mem>>
        %dma_start3A_107 = arith.constant 0 : i32
        %dma_start3A_108 = arith.constant 0 : i32
        %dma_start3A_109 = tpu.memref_slice %arg21[%dma_start3A_107, %dma_start3A_108] : memref<10000x128xf32, #tpu.memory_space<vmem_shared>> -> memref<10000x128xf32, #tpu.memory_space<vmem_shared>>
        tpu.enqueue_indirect_dma source(%arg19 : memref<80x128xf32, #tpu.memory_space<vmem>>) target(%dma_start3A_109 : memref<10000x128xf32, #tpu.memory_space<vmem_shared>>) offsets(%arg14 : memref<80xi32, #tpu.memory_space<vmem>>) semaphore(%run_scoped3A : memref<!tpu.dma_semaphore, #tpu.memory_space<semaphore_mem>>) {add = true}
        %dma_wait3A_110 = arith.constant 0 : i32
        %dma_wait3A_111 = arith.constant 0 : i32
        %dma_wait3A_112 = tpu.memref_slice %arg21[%dma_wait3A_110, %dma_wait3A_111] : memref<10000x128xf32, #tpu.memory_space<vmem_shared>> -> memref<10000x128xf32, #tpu.memory_space<vmem_shared>>
        tpu.wait_indirect_dma semaphore(%run_scoped3A : memref<!tpu.dma_semaphore, #tpu.memory_space<semaphore_mem>>) src(%arg19 : memref<80x128xf32, #tpu.memory_space<vmem>>) dst(%dma_wait3A_112 : memref<10000x128xf32, #tpu.memory_space<vmem_shared>>)
        tpu.yield
      }) : () -> ()
      scf.yield %scan3A_95#0, %scan3A_95#1, %scan3A_95#2, %scan3A_95#3, %scan3A_95#4, %scan3A_95#5, %scan3A_95#6, %scan3A_95#7 : vector<16xf32>, vector<16xf32>, vector<16xf32>, vector<16xf32>, vector<16xf32>, vector<16xf32>, vector<16xf32>, vector<16xf32>
    }
    %scan3A_8 = arith.constant 250 : i32
    %swap3A = arith.constant 0 : i32
    %swap3A_9 = arith.index_cast %swap3A : i32 to index
    %swap3A_10 = arith.constant 0 : index
    %swap3A_11 = tpu.vector_load %arg20[%swap3A_9, %swap3A_10] {strides = array<i32>} : memref<2x64xf32, #tpu.memory_space<vmem>>, vector<1x16xf32>,
    %swap3A_12 = vector.shape_cast %swap3A_11 : vector<1x16xf32> to vector<16xf32>
    %swap3A_13 = vector.shape_cast %scan3A_7#0 : vector<16xf32> to vector<1x16xf32>
    tpu.vector_store %arg20[%swap3A_9, %swap3A_10], %swap3A_13 {strides = array<i32>} : memref<2x64xf32, #tpu.memory_space<vmem>>, vector<1x16xf32>,
    %swap3A_14 = arith.constant 1 : i32
    %swap3A_15 = arith.index_cast %swap3A_14 : i32 to index
    %swap3A_16 = arith.constant 0 : index
    %swap3A_17 = tpu.vector_load %arg20[%swap3A_15, %swap3A_16] {strides = array<i32>} : memref<2x64xf32, #tpu.memory_space<vmem>>, vector<1x16xf32>,
    %swap3A_18 = vector.shape_cast %swap3A_17 : vector<1x16xf32> to vector<16xf32>
    %swap3A_19 = vector.shape_cast %scan3A_7#4 : vector<16xf32> to vector<1x16xf32>
    tpu.vector_store %arg20[%swap3A_15, %swap3A_16], %swap3A_19 {strides = array<i32>} : memref<2x64xf32, #tpu.memory_space<vmem>>, vector<1x16xf32>,
    %swap3A_20 = arith.constant 0 : i32
    %swap3A_21 = arith.index_cast %swap3A_20 : i32 to index
    %swap3A_22 = arith.constant 16 : index
    %swap3A_23 = tpu.vector_load %arg20[%swap3A_21, %swap3A_22] {strides = array<i32>} : memref<2x64xf32, #tpu.memory_space<vmem>>, vector<1x16xf32>,
    %swap3A_24 = vector.shape_cast %swap3A_23 : vector<1x16xf32> to vector<16xf32>
    %swap3A_25 = vector.shape_cast %scan3A_7#1 : vector<16xf32> to vector<1x16xf32>
    tpu.vector_store %arg20[%swap3A_21, %swap3A_22], %swap3A_25 {strides = array<i32>} : memref<2x64xf32, #tpu.memory_space<vmem>>, vector<1x16xf32>,
    %swap3A_26 = arith.constant 1 : i32
    %swap3A_27 = arith.index_cast %swap3A_26 : i32 to index
    %swap3A_28 = arith.constant 16 : index
    %swap3A_29 = tpu.vector_load %arg20[%swap3A_27, %swap3A_28] {strides = array<i32>} : memref<2x64xf32, #tpu.memory_space<vmem>>, vector<1x16xf32>,
    %swap3A_30 = vector.shape_cast %swap3A_29 : vector<1x16xf32> to vector<16xf32>
    %swap3A_31 = vector.shape_cast %scan3A_7#5 : vector<16xf32> to vector<1x16xf32>
    tpu.vector_store %arg20[%swap3A_27, %swap3A_28], %swap3A_31 {strides = array<i32>} : memref<2x64xf32, #tpu.memory_space<vmem>>, vector<1x16xf32>,
    %swap3A_32 = arith.constant 0 : i32
    %swap3A_33 = arith.index_cast %swap3A_32 : i32 to index
    %swap3A_34 = arith.constant 32 : index
    %swap3A_35 = tpu.vector_load %arg20[%swap3A_33, %swap3A_34] {strides = array<i32>} : memref<2x64xf32, #tpu.memory_space<vmem>>, vector<1x16xf32>,
    %swap3A_36 = vector.shape_cast %swap3A_35 : vector<1x16xf32> to vector<16xf32>
    %swap3A_37 = vector.shape_cast %scan3A_7#2 : vector<16xf32> to vector<1x16xf32>
    tpu.vector_store %arg20[%swap3A_33, %swap3A_34], %swap3A_37 {strides = array<i32>} : memref<2x64xf32, #tpu.memory_space<vmem>>, vector<1x16xf32>,
    %swap3A_38 = arith.constant 1 : i32
    %swap3A_39 = arith.index_cast %swap3A_38 : i32 to index
    %swap3A_40 = arith.constant 32 : index
    %swap3A_41 = tpu.vector_load %arg20[%swap3A_39, %swap3A_40] {strides = array<i32>} : memref<2x64xf32, #tpu.memory_space<vmem>>, vector<1x16xf32>,
    %swap3A_42 = vector.shape_cast %swap3A_41 : vector<1x16xf32> to vector<16xf32>
    %swap3A_43 = vector.shape_cast %scan3A_7#6 : vector<16xf32> to vector<1x16xf32>
    tpu.vector_store %arg20[%swap3A_39, %swap3A_40], %swap3A_43 {strides = array<i32>} : memref<2x64xf32, #tpu.memory_space<vmem>>, vector<1x16xf32>,
    %swap3A_44 = arith.constant 0 : i32
    %swap3A_45 = arith.index_cast %swap3A_44 : i32 to index
    %swap3A_46 = arith.constant 48 : index
    %swap3A_47 = tpu.vector_load %arg20[%swap3A_45, %swap3A_46] {strides = array<i32>} : memref<2x64xf32, #tpu.memory_space<vmem>>, vector<1x16xf32>,
    %swap3A_48 = vector.shape_cast %swap3A_47 : vector<1x16xf32> to vector<16xf32>
    %swap3A_49 = vector.shape_cast %scan3A_7#3 : vector<16xf32> to vector<1x16xf32>
    tpu.vector_store %arg20[%swap3A_45, %swap3A_46], %swap3A_49 {strides = array<i32>} : memref<2x64xf32, #tpu.memory_space<vmem>>, vector<1x16xf32>,
    %swap3A_50 = arith.constant 1 : i32
    %swap3A_51 = arith.index_cast %swap3A_50 : i32 to index
    %swap3A_52 = arith.constant 48 : index
    %swap3A_53 = tpu.vector_load %arg20[%swap3A_51, %swap3A_52] {strides = array<i32>} : memref<2x64xf32, #tpu.memory_space<vmem>>, vector<1x16xf32>,
    %swap3A_54 = vector.shape_cast %swap3A_53 : vector<1x16xf32> to vector<16xf32>
    %swap3A_55 = vector.shape_cast %scan3A_7#7 : vector<16xf32> to vector<1x16xf32>
    tpu.vector_store %arg20[%swap3A_51, %swap3A_52], %swap3A_55 {strides = array<i32>} : memref<2x64xf32, #tpu.memory_space<vmem>>, vector<1x16xf32>,
    "tpu.region"() ({
      %run_scoped3A = tpu.sem_alloc : memref<!tpu.dma_semaphore, #tpu.memory_space<semaphore_mem>>
      %dma_start3A = arith.constant 0 : i32
      %dma_start3A_62 = arith.constant 0 : i32
      %dma_start3A_63 = tpu.memref_slice %arg13[%arg0, %arg1, %dma_start3A, %dma_start3A_62] : memref<2x16x2x64xf32, #tpu.memory_space<hbm>> -> memref<1x1x2x64xf32, #tpu.memory_space<hbm>>
      %dma_start3A_64 = tpu.memref_squeeze %dma_start3A_63 : memref<1x1x2x64xf32, #tpu.memory_space<hbm>> -> memref<2x64xf32, #tpu.memory_space<hbm>>
      %dma_start3A_65 = arith.constant 0 : i32
      %dma_start3A_66 = arith.constant 0 : i32
      %dma_start3A_67 = tpu.memref_slice %arg13[%arg0, %arg1, %dma_start3A_65, %dma_start3A_66] : memref<2x16x2x64xf32, #tpu.memory_space<hbm>> -> memref<1x1x2x64xf32, #tpu.memory_space<hbm>>
      %dma_start3A_68 = tpu.memref_squeeze %dma_start3A_67 : memref<1x1x2x64xf32, #tpu.memory_space<hbm>> -> memref<2x64xf32, #tpu.memory_space<hbm>>
      tpu.enqueue_dma source(%arg20 : memref<2x64xf32, #tpu.memory_space<vmem>>) target(%dma_start3A_68 : memref<2x64xf32, #tpu.memory_space<hbm>>) target_semaphore(%run_scoped3A : memref<!tpu.dma_semaphore, #tpu.memory_space<semaphore_mem>>)
      %dma_wait3A = arith.constant 0 : i32
      %dma_wait3A_69 = arith.constant 0 : i32
      %dma_wait3A_70 = tpu.memref_slice %arg13[%arg0, %arg1, %dma_wait3A, %dma_wait3A_69] : memref<2x16x2x64xf32, #tpu.memory_space<hbm>> -> memref<1x1x2x64xf32, #tpu.memory_space<hbm>>
      %dma_wait3A_71 = tpu.memref_squeeze %dma_wait3A_70 : memref<1x1x2x64xf32, #tpu.memory_space<hbm>> -> memref<2x64xf32, #tpu.memory_space<hbm>>
      %dma_wait3A_72 = arith.constant 0 : i32
      %dma_wait3A_73 = arith.constant 0 : i32
      %dma_wait3A_74 = tpu.memref_slice %arg13[%arg0, %arg1, %dma_wait3A_72, %dma_wait3A_73] : memref<2x16x2x64xf32, #tpu.memory_space<hbm>> -> memref<1x1x2x64xf32, #tpu.memory_space<hbm>>
      %dma_wait3A_75 = tpu.memref_squeeze %dma_wait3A_74 : memref<1x1x2x64xf32, #tpu.memory_space<hbm>> -> memref<2x64xf32, #tpu.memory_space<hbm>>
      tpu.wait_dma2 semaphore(%run_scoped3A : memref<!tpu.dma_semaphore, #tpu.memory_space<semaphore_mem>>) src(%arg20 : memref<2x64xf32, #tpu.memory_space<vmem>>) dst(%dma_wait3A_75 : memref<2x64xf32, #tpu.memory_space<hbm>>)
      tpu.yield
    }) : () -> ()
    %barrier3A_56 = arith.constant 0 : index
    tpu.barrier barrier_id(%barrier3A_56)
    %eq3A_57 = arith.constant 0 : i32
    %eq3A_58 = arith.cmpi eq, %arg1, %eq3A_57 : i32
    %convert_element_type3A_59 = arith.extui %eq3A_58 : i1 to i32
    %cond3A_60 = arith.constant 0 : i32
    %cond3A_61 = arith.cmpi ne, %convert_element_type3A_59, %cond3A_60 : i32
    scf.if %cond3A_61 {
      "tpu.region"() ({
        %run_scoped3A = tpu.sem_alloc : memref<!tpu.dma_semaphore, #tpu.memory_space<semaphore_mem>>
        %dma_start3A = arith.constant 0 : i32
        %dma_start3A_62 = arith.constant 0 : i32
        %dma_start3A_63 = tpu.memref_slice %arg12[%arg0, %dma_start3A, %dma_start3A_62] : memref<2x10000x128xf32, #tpu.memory_space<hbm>> -> memref<1x10000x128xf32, #tpu.memory_space<hbm>>
        %dma_start3A_64 = tpu.memref_squeeze %dma_start3A_63 : memref<1x10000x128xf32, #tpu.memory_space<hbm>> -> memref<10000x128xf32, #tpu.memory_space<hbm>>
        tpu.enqueue_dma source(%arg21 : memref<10000x128xf32, #tpu.memory_space<vmem_shared>>) target(%dma_start3A_64 : memref<10000x128xf32, #tpu.memory_space<hbm>>) target_semaphore(%run_scoped3A : memref<!tpu.dma_semaphore, #tpu.memory_space<semaphore_mem>>)
        %dma_wait3A = arith.constant 0 : i32
        %dma_wait3A_65 = arith.constant 0 : i32
        %dma_wait3A_66 = tpu.memref_slice %arg12[%arg0, %dma_wait3A, %dma_wait3A_65] : memref<2x10000x128xf32, #tpu.memory_space<hbm>> -> memref<1x10000x128xf32, #tpu.memory_space<hbm>>
        %dma_wait3A_67 = tpu.memref_squeeze %dma_wait3A_66 : memref<1x10000x128xf32, #tpu.memory_space<hbm>> -> memref<10000x128xf32, #tpu.memory_space<hbm>>
        tpu.wait_dma2 semaphore(%run_scoped3A : memref<!tpu.dma_semaphore, #tpu.memory_space<semaphore_mem>>) src(%arg21 : memref<10000x128xf32, #tpu.memory_space<vmem_shared>>) dst(%dma_wait3A_67 : memref<10000x128xf32, #tpu.memory_space<hbm>>)
        tpu.yield
      }) : () -> ()
    } else {
    }
    return
  }
}

module attributes {stable_mosaic.version = 14 : i64} {
  func.func @_node_proj_body(%arg0: memref<10000x128xf32, #tpu.memory_space<vmem>>, %arg1: memref<128x128xf32, #tpu.memory_space<vmem>>, %arg2: memref<1x128xf32, #tpu.memory_space<vmem>>, %arg3: memref<128x128xf32, #tpu.memory_space<vmem>>, %arg4: memref<1x128xf32, #tpu.memory_space<vmem>>, %arg5: memref<128x128xf32, #tpu.memory_space<vmem>>, %arg6: memref<1x128xf32, #tpu.memory_space<vmem>>, %arg7: memref<128x128xf32, #tpu.memory_space<vmem>>, %arg8: memref<1x128xf32, #tpu.memory_space<vmem>>, %arg9: memref<10000x128xf32, #tpu.memory_space<vmem>>, %arg10: memref<10000x128xf32, #tpu.memory_space<vmem>>, %arg11: memref<10000x128xf32, #tpu.memory_space<vmem>>, %arg12: memref<10000x128xf32, #tpu.memory_space<vmem>>) attributes {dimension_semantics = [], scalar_prefetch = 0 : i64, scratch_operands = 0 : i64, tpu.core_type = #tpu.core_type<tc>} {
    %get3A = arith.constant 0 : index
    %get3A_0 = arith.constant 0 : index
    %get3A_1 = vector.load %arg0[%get3A, %get3A_0] : memref<10000x128xf32, #tpu.memory_space<vmem>>, vector<10000x128xf32>
    %get3A_2 = arith.constant 0 : index
    %get3A_3 = arith.constant 0 : index
    %get3A_4 = vector.load %arg1[%get3A_2, %get3A_3] : memref<128x128xf32, #tpu.memory_space<vmem>>, vector<128x128xf32>
    %dot_general3A = arith.constant dense<0.000000e+00> : vector<10000x128xf32>
    %dot_general3A_5 = tpu.matmul %get3A_1, %get3A_4, %dot_general3A {dimension_numbers = #tpu.dot_dimension_numbers<[1], [1], [0], [0], [0, 0, 1, 0], [], []>, transpose_lhs_hint = false} : vector<10000x128xf32>, vector<128x128xf32>, vector<10000x128xf32> -> vector<10000x128xf32>
    %get3A_6 = arith.constant 0 : index
    %get3A_7 = arith.constant 0 : index
    %get3A_8 = vector.load %arg2[%get3A_6, %get3A_7] : memref<1x128xf32, #tpu.memory_space<vmem>>, vector<1x128xf32>
    %add3A = vector.broadcast %get3A_8 : vector<1x128xf32> to vector<10000x128xf32>
    %add3A_9 = arith.addf %dot_general3A_5, %add3A : vector<10000x128xf32>
    %get3A_10 = arith.constant 0 : index
    %get3A_11 = arith.constant 0 : index
    %get3A_12 = vector.load %arg3[%get3A_10, %get3A_11] : memref<128x128xf32, #tpu.memory_space<vmem>>, vector<128x128xf32>
    %dot_general3A_13 = arith.constant dense<0.000000e+00> : vector<10000x128xf32>
    %dot_general3A_14 = tpu.matmul %get3A_1, %get3A_12, %dot_general3A_13 {dimension_numbers = #tpu.dot_dimension_numbers<[1], [1], [0], [0], [0, 0, 1, 0], [], []>, transpose_lhs_hint = false} : vector<10000x128xf32>, vector<128x128xf32>, vector<10000x128xf32> -> vector<10000x128xf32>
    %get3A_15 = arith.constant 0 : index
    %get3A_16 = arith.constant 0 : index
    %get3A_17 = vector.load %arg4[%get3A_15, %get3A_16] : memref<1x128xf32, #tpu.memory_space<vmem>>, vector<1x128xf32>
    %add3A_18 = vector.broadcast %get3A_17 : vector<1x128xf32> to vector<10000x128xf32>
    %add3A_19 = arith.addf %dot_general3A_14, %add3A_18 : vector<10000x128xf32>
    %get3A_20 = arith.constant 0 : index
    %get3A_21 = arith.constant 0 : index
    %get3A_22 = vector.load %arg5[%get3A_20, %get3A_21] : memref<128x128xf32, #tpu.memory_space<vmem>>, vector<128x128xf32>
    %dot_general3A_23 = arith.constant dense<0.000000e+00> : vector<10000x128xf32>
    %dot_general3A_24 = tpu.matmul %get3A_1, %get3A_22, %dot_general3A_23 {dimension_numbers = #tpu.dot_dimension_numbers<[1], [1], [0], [0], [0, 0, 1, 0], [], []>, transpose_lhs_hint = false} : vector<10000x128xf32>, vector<128x128xf32>, vector<10000x128xf32> -> vector<10000x128xf32>
    %get3A_25 = arith.constant 0 : index
    %get3A_26 = arith.constant 0 : index
    %get3A_27 = vector.load %arg6[%get3A_25, %get3A_26] : memref<1x128xf32, #tpu.memory_space<vmem>>, vector<1x128xf32>
    %add3A_28 = vector.broadcast %get3A_27 : vector<1x128xf32> to vector<10000x128xf32>
    %add3A_29 = arith.addf %dot_general3A_24, %add3A_28 : vector<10000x128xf32>
    %get3A_30 = arith.constant 0 : index
    %get3A_31 = arith.constant 0 : index
    %get3A_32 = vector.load %arg7[%get3A_30, %get3A_31] : memref<128x128xf32, #tpu.memory_space<vmem>>, vector<128x128xf32>
    %dot_general3A_33 = arith.constant dense<0.000000e+00> : vector<10000x128xf32>
    %dot_general3A_34 = tpu.matmul %get3A_1, %get3A_32, %dot_general3A_33 {dimension_numbers = #tpu.dot_dimension_numbers<[1], [1], [0], [0], [0, 0, 1, 0], [], []>, transpose_lhs_hint = false} : vector<10000x128xf32>, vector<128x128xf32>, vector<10000x128xf32> -> vector<10000x128xf32>
    %get3A_35 = arith.constant 0 : index
    %get3A_36 = arith.constant 0 : index
    %get3A_37 = vector.load %arg8[%get3A_35, %get3A_36] : memref<1x128xf32, #tpu.memory_space<vmem>>, vector<1x128xf32>
    %add3A_38 = vector.broadcast %get3A_37 : vector<1x128xf32> to vector<10000x128xf32>
    %add3A_39 = arith.addf %dot_general3A_34, %add3A_38 : vector<10000x128xf32>
    %swap3A = arith.constant 0 : index
    %swap3A_40 = arith.constant 0 : index
    %swap3A_41 = vector.load %arg9[%swap3A, %swap3A_40] : memref<10000x128xf32, #tpu.memory_space<vmem>>, vector<10000x128xf32>
    tpu.vector_store %arg9[%swap3A, %swap3A_40], %add3A_9 {strides = array<i32>} : memref<10000x128xf32, #tpu.memory_space<vmem>>, vector<10000x128xf32>,
    %slice3A = vector.extract_strided_slice %add3A_19 {offsets = [0, 0], sizes = [10000, 64], strides = [1, 1]} : vector<10000x128xf32> to vector<10000x64xf32>
    %slice3A_42 = vector.extract_strided_slice %add3A_29 {offsets = [0, 0], sizes = [10000, 64], strides = [1, 1]} : vector<10000x128xf32> to vector<10000x64xf32>
    %concatenate3A = tpu.concatenate %slice3A, %slice3A_42 in 1 : vector<10000x64xf32>, vector<10000x64xf32> -> vector<10000x128xf32>
    %swap3A_43 = arith.constant 0 : index
    %swap3A_44 = arith.constant 0 : index
    %swap3A_45 = vector.load %arg10[%swap3A_43, %swap3A_44] : memref<10000x128xf32, #tpu.memory_space<vmem>>, vector<10000x128xf32>
    tpu.vector_store %arg10[%swap3A_43, %swap3A_44], %concatenate3A {strides = array<i32>} : memref<10000x128xf32, #tpu.memory_space<vmem>>, vector<10000x128xf32>,
    %slice3A_46 = vector.extract_strided_slice %add3A_19 {offsets = [0, 64], sizes = [10000, 64], strides = [1, 1]} : vector<10000x128xf32> to vector<10000x64xf32>
    %slice3A_47 = vector.extract_strided_slice %add3A_29 {offsets = [0, 64], sizes = [10000, 64], strides = [1, 1]} : vector<10000x128xf32> to vector<10000x64xf32>
    %concatenate3A_48 = tpu.concatenate %slice3A_46, %slice3A_47 in 1 : vector<10000x64xf32>, vector<10000x64xf32> -> vector<10000x128xf32>
    %swap3A_49 = arith.constant 0 : index
    %swap3A_50 = arith.constant 0 : index
    %swap3A_51 = vector.load %arg11[%swap3A_49, %swap3A_50] : memref<10000x128xf32, #tpu.memory_space<vmem>>, vector<10000x128xf32>
    tpu.vector_store %arg11[%swap3A_49, %swap3A_50], %concatenate3A_48 {strides = array<i32>} : memref<10000x128xf32, #tpu.memory_space<vmem>>, vector<10000x128xf32>,
    %swap3A_52 = arith.constant 0 : index
    %swap3A_53 = arith.constant 0 : index
    %swap3A_54 = vector.load %arg12[%swap3A_52, %swap3A_53] : memref<10000x128xf32, #tpu.memory_space<vmem>>, vector<10000x128xf32>
    tpu.vector_store %arg12[%swap3A_52, %swap3A_53], %add3A_39 {strides = array<i32>} : memref<10000x128xf32, #tpu.memory_space<vmem>>, vector<10000x128xf32>,
    return
  }
}

module attributes {stable_mosaic.version = 14 : i64} {
  func.func @_edge_proj_body(%arg0: i32, %arg1: memref<2000x128xf32, #tpu.memory_space<vmem>>, %arg2: memref<128x128xf32, #tpu.memory_space<vmem>>, %arg3: memref<1x128xf32, #tpu.memory_space<vmem>>, %arg4: memref<2000x64xf32, #tpu.memory_space<vmem>>, %arg5: memref<2000x64xf32, #tpu.memory_space<vmem>>) attributes {dimension_semantics = [#tpu.dimension_semantics<arbitrary>], iteration_bounds = array<i64: 160>, scalar_prefetch = 0 : i64, scratch_operands = 0 : i64, tpu.core_type = #tpu.core_type<tc>, window_params = [{transform_indices = @transform_0, window_bounds = array<i64: 2000, 128>}, {pipeline_mode = #tpu.pipeline_mode<synchronous>, transform_indices = @transform_1, window_bounds = array<i64: 128, 128>}, {pipeline_mode = #tpu.pipeline_mode<synchronous>, transform_indices = @transform_2, window_bounds = array<i64: 1, 128>}, {transform_indices = @transform_3, window_bounds = array<i64: 2000, 64>}, {transform_indices = @transform_4, window_bounds = array<i64: 2000, 64>}]} {
    %get3A = arith.constant 0 : index
    %get3A_0 = arith.constant 0 : index
    %get3A_1 = vector.load %arg1[%get3A, %get3A_0] : memref<2000x128xf32, #tpu.memory_space<vmem>>, vector<2000x128xf32>
    %get3A_2 = arith.constant 0 : index
    %get3A_3 = arith.constant 0 : index
    %get3A_4 = vector.load %arg2[%get3A_2, %get3A_3] : memref<128x128xf32, #tpu.memory_space<vmem>>, vector<128x128xf32>
    %dot_general3A = arith.constant dense<0.000000e+00> : vector<2000x128xf32>
    %dot_general3A_5 = tpu.matmul %get3A_1, %get3A_4, %dot_general3A {dimension_numbers = #tpu.dot_dimension_numbers<[1], [1], [0], [0], [0, 0, 1, 0], [], []>, transpose_lhs_hint = false} : vector<2000x128xf32>, vector<128x128xf32>, vector<2000x128xf32> -> vector<2000x128xf32>
    %get3A_6 = arith.constant 0 : index
    %get3A_7 = arith.constant 0 : index
    %get3A_8 = vector.load %arg3[%get3A_6, %get3A_7] : memref<1x128xf32, #tpu.memory_space<vmem>>, vector<1x128xf32>
    %add3A = vector.broadcast %get3A_8 : vector<1x128xf32> to vector<2000x128xf32>
    %add3A_9 = arith.addf %dot_general3A_5, %add3A : vector<2000x128xf32>
    %slice3A = vector.extract_strided_slice %add3A_9 {offsets = [0, 0], sizes = [2000, 64], strides = [1, 1]} : vector<2000x128xf32> to vector<2000x64xf32>
    %swap3A = arith.constant 0 : index
    %swap3A_10 = arith.constant 0 : index
    %swap3A_11 = vector.load %arg4[%swap3A, %swap3A_10] : memref<2000x64xf32, #tpu.memory_space<vmem>>, vector<2000x64xf32>
    tpu.vector_store %arg4[%swap3A, %swap3A_10], %slice3A {strides = array<i32>} : memref<2000x64xf32, #tpu.memory_space<vmem>>, vector<2000x64xf32>,
    %slice3A_12 = vector.extract_strided_slice %add3A_9 {offsets = [0, 64], sizes = [2000, 64], strides = [1, 1]} : vector<2000x128xf32> to vector<2000x64xf32>
    %swap3A_13 = arith.constant 0 : index
    %swap3A_14 = arith.constant 0 : index
    %swap3A_15 = vector.load %arg5[%swap3A_13, %swap3A_14] : memref<2000x64xf32, #tpu.memory_space<vmem>>, vector<2000x64xf32>
    tpu.vector_store %arg5[%swap3A_13, %swap3A_14], %slice3A_12 {strides = array<i32>} : memref<2000x64xf32, #tpu.memory_space<vmem>>, vector<2000x64xf32>,
    return
  }
  func.func @transform_0(%arg0: i32) -> (i32, i32) {
    %c0_i32 = arith.constant 0 : i32
    %c0_i32_0 = arith.constant 0 : i32
    return %arg0, %c0_i32 : i32, i32
  }
  func.func @transform_1(%arg0: i32) -> (i32, i32) {
    %c0_i32 = arith.constant 0 : i32
    %c0_i32_0 = arith.constant 0 : i32
    %c0_i32_1 = arith.constant 0 : i32
    return %c0_i32, %c0_i32_0 : i32, i32
  }
  func.func @transform_2(%arg0: i32) -> (i32, i32) {
    %c0_i32 = arith.constant 0 : i32
    %c0_i32_0 = arith.constant 0 : i32
    %c0_i32_1 = arith.constant 0 : i32
    return %c0_i32, %c0_i32_0 : i32, i32
  }
  func.func @transform_3(%arg0: i32) -> (i32, i32) {
    %c0_i32 = arith.constant 0 : i32
    %c0_i32_0 = arith.constant 0 : i32
    return %arg0, %c0_i32 : i32, i32
  }
  func.func @transform_4(%arg0: i32) -> (i32, i32) {
    %c0_i32 = arith.constant 0 : i32
    %c0_i32_0 = arith.constant 0 : i32
    return %arg0, %c0_i32 : i32, i32
  }
}

module attributes {stable_mosaic.version = 14 : i64} {
  func.func @_node_out_body(%arg0: memref<2x10000x128xf32, #tpu.memory_space<vmem>>, %arg1: memref<10000x128xf32, #tpu.memory_space<vmem>>, %arg2: memref<10000x128xf32, #tpu.memory_space<vmem>>, %arg3: memref<2x16x2x64xf32, #tpu.memory_space<vmem>>, %arg4: memref<1x128xf32, #tpu.memory_space<vmem>>, %arg5: memref<1x128xf32, #tpu.memory_space<vmem>>, %arg6: memref<2x64xf32, #tpu.memory_space<vmem>>, %arg7: memref<2x64xf32, #tpu.memory_space<vmem>>, %arg8: memref<10000x128xf32, #tpu.memory_space<vmem>>, %arg9: memref<2x2x64xf32, #tpu.memory_space<vmem>>) attributes {dimension_semantics = [], scalar_prefetch = 0 : i64, scratch_operands = 0 : i64, tpu.core_type = #tpu.core_type<tc>} {
    %get3A = arith.constant 0 : index
    %get3A_0 = arith.constant 0 : index
    %get3A_1 = arith.constant 0 : index
    %get3A_2 = vector.load %arg0[%get3A, %get3A_0, %get3A_1] : memref<2x10000x128xf32, #tpu.memory_space<vmem>>, vector<1x10000x64xf32>
    %get3A_3 = vector.shape_cast %get3A_2 : vector<1x10000x64xf32> to vector<10000x64xf32>
    %get3A_4 = arith.constant 1 : index
    %get3A_5 = arith.constant 0 : index
    %get3A_6 = arith.constant 0 : index
    %get3A_7 = vector.load %arg0[%get3A_4, %get3A_5, %get3A_6] : memref<2x10000x128xf32, #tpu.memory_space<vmem>>, vector<1x10000x64xf32>
    %get3A_8 = vector.shape_cast %get3A_7 : vector<1x10000x64xf32> to vector<10000x64xf32>
    %concatenate3A = tpu.concatenate %get3A_3, %get3A_8 in 1 : vector<10000x64xf32>, vector<10000x64xf32> -> vector<10000x128xf32>
    %get3A_9 = arith.constant 0 : index
    %get3A_10 = arith.constant 0 : index
    %get3A_11 = arith.constant 64 : index
    %get3A_12 = vector.load %arg0[%get3A_9, %get3A_10, %get3A_11] : memref<2x10000x128xf32, #tpu.memory_space<vmem>>, vector<1x10000x64xf32>
    %get3A_13 = vector.shape_cast %get3A_12 : vector<1x10000x64xf32> to vector<10000x64xf32>
    %get3A_14 = arith.constant 1 : index
    %get3A_15 = arith.constant 0 : index
    %get3A_16 = arith.constant 64 : index
    %get3A_17 = vector.load %arg0[%get3A_14, %get3A_15, %get3A_16] : memref<2x10000x128xf32, #tpu.memory_space<vmem>>, vector<1x10000x64xf32>
    %get3A_18 = vector.shape_cast %get3A_17 : vector<1x10000x64xf32> to vector<10000x64xf32>
    %concatenate3A_19 = tpu.concatenate %get3A_13, %get3A_18 in 1 : vector<10000x64xf32>, vector<10000x64xf32> -> vector<10000x128xf32>
    %add3A = arith.constant 9.99999997E-7 : f32
    %add3A_20 = vector.broadcast %add3A : f32 to vector<10000x128xf32>
    %add3A_21 = arith.addf %concatenate3A_19, %add3A_20 : vector<10000x128xf32>
    %div3A = arith.divf %concatenate3A, %add3A_21 : vector<10000x128xf32>
    %get3A_22 = arith.constant 0 : index
    %get3A_23 = arith.constant 0 : index
    %get3A_24 = vector.load %arg1[%get3A_22, %get3A_23] : memref<10000x128xf32, #tpu.memory_space<vmem>>, vector<10000x128xf32>
    %add3A_25 = arith.addf %get3A_24, %div3A : vector<10000x128xf32>
    %reduce_sum3A = arith.constant dense<0.000000e+00> : vector<128xf32>
    %reduce_sum3A_26 = vector.multi_reduction <add>, %add3A_25, %reduce_sum3A [0] : vector<10000x128xf32> to vector<128xf32>
    %broadcast_in_dim3A = vector.shape_cast %reduce_sum3A_26 : vector<128xf32> to vector<1x128xf32>
    %div3A_27 = arith.constant 1.000000e+04 : f32
    %div3A_28 = vector.broadcast %div3A_27 : f32 to vector<1x128xf32>
    %div3A_29 = arith.divf %broadcast_in_dim3A, %div3A_28 : vector<1x128xf32>
    %sub3A = vector.broadcast %div3A_29 : vector<1x128xf32> to vector<10000x128xf32>
    %sub3A_30 = arith.subf %add3A_25, %sub3A : vector<10000x128xf32>
    %integer_pow3A = arith.mulf %sub3A_30, %sub3A_30 : vector<10000x128xf32>
    %reduce_sum3A_31 = arith.constant dense<0.000000e+00> : vector<128xf32>
    %reduce_sum3A_32 = vector.multi_reduction <add>, %integer_pow3A, %reduce_sum3A_31 [0] : vector<10000x128xf32> to vector<128xf32>
    %broadcast_in_dim3A_33 = vector.shape_cast %reduce_sum3A_32 : vector<128xf32> to vector<1x128xf32>
    %div3A_34 = arith.constant 1.000000e+04 : f32
    %div3A_35 = vector.broadcast %div3A_34 : f32 to vector<1x128xf32>
    %div3A_36 = arith.divf %broadcast_in_dim3A_33, %div3A_35 : vector<1x128xf32>
    %get3A_37 = arith.constant 0 : index
    %get3A_38 = arith.constant 0 : index
    %get3A_39 = vector.load %arg4[%get3A_37, %get3A_38] : memref<1x128xf32, #tpu.memory_space<vmem>>, vector<1x128xf32>
    %sub3A_40 = vector.broadcast %div3A_29 : vector<1x128xf32> to vector<10000x128xf32>
    %sub3A_41 = arith.subf %add3A_25, %sub3A_40 : vector<10000x128xf32>
    %mul3A = vector.broadcast %get3A_39 : vector<1x128xf32> to vector<10000x128xf32>
    %mul3A_42 = arith.mulf %mul3A, %sub3A_41 : vector<10000x128xf32>
    %add3A_43 = arith.constant 9.99999974E-6 : f32
    %add3A_44 = vector.broadcast %add3A_43 : f32 to vector<1x128xf32>
    %add3A_45 = arith.addf %div3A_36, %add3A_44 : vector<1x128xf32>
    %sqrt3A = math.sqrt %add3A_45 : vector<1x128xf32>
    %div3A_46 = vector.broadcast %sqrt3A : vector<1x128xf32> to vector<10000x128xf32>
    %div3A_47 = arith.divf %mul3A_42, %div3A_46 : vector<10000x128xf32>
    %get3A_48 = arith.constant 0 : index
    %get3A_49 = arith.constant 0 : index
    %get3A_50 = vector.load %arg5[%get3A_48, %get3A_49] : memref<1x128xf32, #tpu.memory_space<vmem>>, vector<1x128xf32>
    %add3A_51 = vector.broadcast %get3A_50 : vector<1x128xf32> to vector<10000x128xf32>
    %add3A_52 = arith.addf %div3A_47, %add3A_51 : vector<10000x128xf32>
    %logistic3A = arith.negf %add3A_52 : vector<10000x128xf32>
    %logistic3A_53 = math.exp %logistic3A : vector<10000x128xf32>
    %logistic3A_54 = arith.constant 1.000000e+00 : f32
    %logistic3A_55 = vector.broadcast %logistic3A_54 : f32 to vector<10000x128xf32>
    %logistic3A_56 = arith.addf %logistic3A_55, %logistic3A_53 : vector<10000x128xf32>
    %logistic3A_57 = arith.divf %logistic3A_55, %logistic3A_56 : vector<10000x128xf32>
    %mul3A_58 = arith.mulf %add3A_52, %logistic3A_57 : vector<10000x128xf32>
    %get3A_59 = arith.constant 0 : index
    %get3A_60 = arith.constant 0 : index
    %get3A_61 = vector.load %arg2[%get3A_59, %get3A_60] : memref<10000x128xf32, #tpu.memory_space<vmem>>, vector<10000x128xf32>
    %add3A_62 = arith.addf %get3A_61, %mul3A_58 : vector<10000x128xf32>
    %swap3A = arith.constant 0 : index
    %swap3A_63 = arith.constant 0 : index
    %swap3A_64 = vector.load %arg8[%swap3A, %swap3A_63] : memref<10000x128xf32, #tpu.memory_space<vmem>>, vector<10000x128xf32>
    tpu.vector_store %arg8[%swap3A, %swap3A_63], %add3A_62 {strides = array<i32>} : memref<10000x128xf32, #tpu.memory_space<vmem>>, vector<10000x128xf32>,
    %get3A_65 = arith.constant 0 : index
    %get3A_66 = arith.constant 0 : index
    %get3A_67 = arith.constant 0 : index
    %get3A_68 = arith.constant 0 : index
    %get3A_69 = vector.load %arg3[%get3A_65, %get3A_66, %get3A_67, %get3A_68] : memref<2x16x2x64xf32, #tpu.memory_space<vmem>>, vector<2x16x2x64xf32>
    %slice3A = vector.extract_strided_slice %get3A_69 {offsets = [0, 0, 0, 0], sizes = [2, 16, 1, 64], strides = [1, 1, 1, 1]} : vector<2x16x2x64xf32> to vector<2x16x1x64xf32>
    %squeeze3A = vector.shape_cast %slice3A : vector<2x16x1x64xf32> to vector<2x16x64xf32>
    %reduce_sum3A_70 = arith.constant dense<0.000000e+00> : vector<2x64xf32>
    %reduce_sum3A_71 = vector.multi_reduction <add>, %squeeze3A, %reduce_sum3A_70 [1] : vector<2x16x64xf32> to vector<2x64xf32>
    %slice3A_72 = vector.extract_strided_slice %get3A_69 {offsets = [0, 0, 1, 0], sizes = [2, 16, 1, 64], strides = [1, 1, 1, 1]} : vector<2x16x2x64xf32> to vector<2x16x1x64xf32>
    %squeeze3A_73 = vector.shape_cast %slice3A_72 : vector<2x16x1x64xf32> to vector<2x16x64xf32>
    %reduce_sum3A_74 = arith.constant dense<0.000000e+00> : vector<2x64xf32>
    %reduce_sum3A_75 = vector.multi_reduction <add>, %squeeze3A_73, %reduce_sum3A_74 [1] : vector<2x16x64xf32> to vector<2x64xf32>
    %div3A_76 = arith.constant 3.200000e+05 : f32
    %div3A_77 = vector.broadcast %div3A_76 : f32 to vector<2x64xf32>
    %div3A_78 = arith.divf %reduce_sum3A_71, %div3A_77 : vector<2x64xf32>
    %div3A_79 = arith.constant 3.200000e+05 : f32
    %div3A_80 = vector.broadcast %div3A_79 : f32 to vector<2x64xf32>
    %div3A_81 = arith.divf %reduce_sum3A_75, %div3A_80 : vector<2x64xf32>
    %mul3A_82 = arith.mulf %div3A_78, %div3A_78 : vector<2x64xf32>
    %sub3A_83 = arith.subf %div3A_81, %mul3A_82 : vector<2x64xf32>
    %add3A_84 = arith.constant 9.99999974E-6 : f32
    %add3A_85 = vector.broadcast %add3A_84 : f32 to vector<2x64xf32>
    %add3A_86 = arith.addf %sub3A_83, %add3A_85 : vector<2x64xf32>
    %sqrt3A_87 = math.sqrt %add3A_86 : vector<2x64xf32>
    %div3A_88 = arith.constant 1.000000e+00 : f32
    %div3A_89 = vector.broadcast %div3A_88 : f32 to vector<2x64xf32>
    %div3A_90 = arith.divf %div3A_89, %sqrt3A_87 : vector<2x64xf32>
    %get3A_91 = arith.constant 0 : index
    %get3A_92 = arith.constant 0 : index
    %get3A_93 = vector.load %arg6[%get3A_91, %get3A_92] : memref<2x64xf32, #tpu.memory_space<vmem>>, vector<2x64xf32>
    %mul3A_94 = arith.mulf %get3A_93, %div3A_90 : vector<2x64xf32>
    %get3A_95 = arith.constant 0 : index
    %get3A_96 = arith.constant 0 : index
    %get3A_97 = vector.load %arg7[%get3A_95, %get3A_96] : memref<2x64xf32, #tpu.memory_space<vmem>>, vector<2x64xf32>
    %get3A_98 = arith.constant 0 : index
    %get3A_99 = arith.constant 0 : index
    %get3A_100 = vector.load %arg6[%get3A_98, %get3A_99] : memref<2x64xf32, #tpu.memory_space<vmem>>, vector<2x64xf32>
    %mul3A_101 = arith.mulf %get3A_100, %div3A_78 : vector<2x64xf32>
    %mul3A_102 = arith.mulf %mul3A_101, %div3A_90 : vector<2x64xf32>
    %sub3A_103 = arith.subf %get3A_97, %mul3A_102 : vector<2x64xf32>
    %swap3A_104 = arith.constant 0 : index
    %swap3A_105 = arith.constant 0 : index
    %swap3A_106 = arith.constant 0 : index
    %swap3A_107 = vector.load %arg9[%swap3A_104, %swap3A_105, %swap3A_106] : memref<2x2x64xf32, #tpu.memory_space<vmem>>, vector<1x2x64xf32>
    %swap3A_108 = vector.shape_cast %swap3A_107 : vector<1x2x64xf32> to vector<2x64xf32>
    %swap3A_109 = vector.shape_cast %mul3A_94 : vector<2x64xf32> to vector<1x2x64xf32>
    tpu.vector_store %arg9[%swap3A_104, %swap3A_105, %swap3A_106], %swap3A_109 {strides = array<i32>} : memref<2x2x64xf32, #tpu.memory_space<vmem>>, vector<1x2x64xf32>,
    %swap3A_110 = arith.constant 1 : index
    %swap3A_111 = arith.constant 0 : index
    %swap3A_112 = arith.constant 0 : index
    %swap3A_113 = vector.load %arg9[%swap3A_110, %swap3A_111, %swap3A_112] : memref<2x2x64xf32, #tpu.memory_space<vmem>>, vector<1x2x64xf32>
    %swap3A_114 = vector.shape_cast %swap3A_113 : vector<1x2x64xf32> to vector<2x64xf32>
    %swap3A_115 = vector.shape_cast %sub3A_103 : vector<2x64xf32> to vector<1x2x64xf32>
    tpu.vector_store %arg9[%swap3A_110, %swap3A_111, %swap3A_112], %swap3A_115 {strides = array<i32>} : memref<2x2x64xf32, #tpu.memory_space<vmem>>, vector<1x2x64xf32>,
    return
  }
}

module attributes {stable_mosaic.version = 14 : i64} {
  func.func @_edge_out_body(%arg0: i32, %arg1: memref<2000x64xf32, #tpu.memory_space<vmem>>, %arg2: memref<2000x64xf32, #tpu.memory_space<vmem>>, %arg3: memref<2000x128xf32, #tpu.memory_space<vmem>>, %arg4: memref<2x2x64xf32, #tpu.memory_space<vmem>>, %arg5: memref<2000x128xf32, #tpu.memory_space<vmem>>) attributes {dimension_semantics = [#tpu.dimension_semantics<arbitrary>], iteration_bounds = array<i64: 160>, scalar_prefetch = 0 : i64, scratch_operands = 0 : i64, tpu.core_type = #tpu.core_type<tc>, window_params = [{transform_indices = @transform_0, window_bounds = array<i64: 2000, 64>}, {transform_indices = @transform_1, window_bounds = array<i64: 2000, 64>}, {transform_indices = @transform_2, window_bounds = array<i64: 2000, 128>}, {pipeline_mode = #tpu.pipeline_mode<synchronous>, transform_indices = @transform_3, window_bounds = array<i64: 2, 2, 64>}, {transform_indices = @transform_4, window_bounds = array<i64: 2000, 128>}]} {
    %get3A = arith.constant 0 : index
    %get3A_0 = arith.constant 0 : index
    %get3A_1 = arith.constant 0 : index
    %get3A_2 = vector.load %arg4[%get3A, %get3A_0, %get3A_1] : memref<2x2x64xf32, #tpu.memory_space<vmem>>, vector<2x2x64xf32>
    %get3A_3 = arith.constant 0 : index
    %get3A_4 = arith.constant 0 : index
    %get3A_5 = vector.load %arg1[%get3A_3, %get3A_4] : memref<2000x64xf32, #tpu.memory_space<vmem>>, vector<2000x64xf32>
    %slice3A = vector.extract_strided_slice %get3A_2 {offsets = [0, 0, 0], sizes = [1, 1, 64], strides = [1, 1, 1]} : vector<2x2x64xf32> to vector<1x1x64xf32>
    %squeeze3A = vector.shape_cast %slice3A : vector<1x1x64xf32> to vector<64xf32>
    %broadcast_in_dim3A = vector.shape_cast %squeeze3A : vector<64xf32> to vector<1x64xf32>
    %mul3A = vector.broadcast %broadcast_in_dim3A : vector<1x64xf32> to vector<2000x64xf32>
    %mul3A_6 = arith.mulf %get3A_5, %mul3A : vector<2000x64xf32>
    %slice3A_7 = vector.extract_strided_slice %get3A_2 {offsets = [1, 0, 0], sizes = [1, 1, 64], strides = [1, 1, 1]} : vector<2x2x64xf32> to vector<1x1x64xf32>
    %squeeze3A_8 = vector.shape_cast %slice3A_7 : vector<1x1x64xf32> to vector<64xf32>
    %broadcast_in_dim3A_9 = vector.shape_cast %squeeze3A_8 : vector<64xf32> to vector<1x64xf32>
    %add3A = vector.broadcast %broadcast_in_dim3A_9 : vector<1x64xf32> to vector<2000x64xf32>
    %add3A_10 = arith.addf %mul3A_6, %add3A : vector<2000x64xf32>
    %get3A_11 = arith.constant 0 : index
    %get3A_12 = arith.constant 0 : index
    %get3A_13 = vector.load %arg2[%get3A_11, %get3A_12] : memref<2000x64xf32, #tpu.memory_space<vmem>>, vector<2000x64xf32>
    %slice3A_14 = vector.extract_strided_slice %get3A_2 {offsets = [0, 1, 0], sizes = [1, 1, 64], strides = [1, 1, 1]} : vector<2x2x64xf32> to vector<1x1x64xf32>
    %squeeze3A_15 = vector.shape_cast %slice3A_14 : vector<1x1x64xf32> to vector<64xf32>
    %broadcast_in_dim3A_16 = vector.shape_cast %squeeze3A_15 : vector<64xf32> to vector<1x64xf32>
    %mul3A_17 = vector.broadcast %broadcast_in_dim3A_16 : vector<1x64xf32> to vector<2000x64xf32>
    %mul3A_18 = arith.mulf %get3A_13, %mul3A_17 : vector<2000x64xf32>
    %slice3A_19 = vector.extract_strided_slice %get3A_2 {offsets = [1, 1, 0], sizes = [1, 1, 64], strides = [1, 1, 1]} : vector<2x2x64xf32> to vector<1x1x64xf32>
    %squeeze3A_20 = vector.shape_cast %slice3A_19 : vector<1x1x64xf32> to vector<64xf32>
    %broadcast_in_dim3A_21 = vector.shape_cast %squeeze3A_20 : vector<64xf32> to vector<1x64xf32>
    %add3A_22 = vector.broadcast %broadcast_in_dim3A_21 : vector<1x64xf32> to vector<2000x64xf32>
    %add3A_23 = arith.addf %mul3A_18, %add3A_22 : vector<2000x64xf32>
    %concatenate3A = tpu.concatenate %add3A_10, %add3A_23 in 1 : vector<2000x64xf32>, vector<2000x64xf32> -> vector<2000x128xf32>
    %get3A_24 = arith.constant 0 : index
    %get3A_25 = arith.constant 0 : index
    %get3A_26 = vector.load %arg3[%get3A_24, %get3A_25] : memref<2000x128xf32, #tpu.memory_space<vmem>>, vector<2000x128xf32>
    %logistic3A = arith.negf %concatenate3A : vector<2000x128xf32>
    %logistic3A_27 = math.exp %logistic3A : vector<2000x128xf32>
    %logistic3A_28 = arith.constant 1.000000e+00 : f32
    %logistic3A_29 = vector.broadcast %logistic3A_28 : f32 to vector<2000x128xf32>
    %logistic3A_30 = arith.addf %logistic3A_29, %logistic3A_27 : vector<2000x128xf32>
    %logistic3A_31 = arith.divf %logistic3A_29, %logistic3A_30 : vector<2000x128xf32>
    %mul3A_32 = arith.mulf %concatenate3A, %logistic3A_31 : vector<2000x128xf32>
    %add3A_33 = arith.addf %get3A_26, %mul3A_32 : vector<2000x128xf32>
    %swap3A = arith.constant 0 : index
    %swap3A_34 = arith.constant 0 : index
    %swap3A_35 = vector.load %arg5[%swap3A, %swap3A_34] : memref<2000x128xf32, #tpu.memory_space<vmem>>, vector<2000x128xf32>
    tpu.vector_store %arg5[%swap3A, %swap3A_34], %add3A_33 {strides = array<i32>} : memref<2000x128xf32, #tpu.memory_space<vmem>>, vector<2000x128xf32>,
    return
  }
  func.func @transform_0(%arg0: i32) -> (i32, i32) {
    %c0_i32 = arith.constant 0 : i32
    %c0_i32_0 = arith.constant 0 : i32
    return %arg0, %c0_i32 : i32, i32
  }
  func.func @transform_1(%arg0: i32) -> (i32, i32) {
    %c0_i32 = arith.constant 0 : i32
    %c0_i32_0 = arith.constant 0 : i32
    return %arg0, %c0_i32 : i32, i32
  }
  func.func @transform_2(%arg0: i32) -> (i32, i32) {
    %c0_i32 = arith.constant 0 : i32
    %c0_i32_0 = arith.constant 0 : i32
    return %arg0, %c0_i32 : i32, i32
  }
  func.func @transform_3(%arg0: i32) -> (i32, i32, i32) {
    %c0_i32 = arith.constant 0 : i32
    %c0_i32_0 = arith.constant 0 : i32
    %c0_i32_1 = arith.constant 0 : i32
    %c0_i32_2 = arith.constant 0 : i32
    return %c0_i32, %c0_i32_0, %c0_i32_1 : i32, i32, i32
  }
  func.func @transform_4(%arg0: i32) -> (i32, i32) {
    %c0_i32 = arith.constant 0 : i32
    %c0_i32_0 = arith.constant 0 : i32
    return %arg0, %c0_i32 : i32, i32
  }
}

</mosaic_0001>

<sc_bundles>
// kernel: kernel.7.cloned.1.call-start
scs
__scs_entry_jumppad:
0x0: {  	(pc) =	sbr.rel $0x88, $3  }
0x1: {  	(tag) =	ssettag $0x0;
	lr =	simm.s32 $0x1  }
0x2: {  	[smem:$0x3F90] =	sst lr;
	_ =	strace $0xD0000000  }
0x3: {  	_ = 	snop  }
0x4: {  	_ = 	snop  }
0x5: {  	_ = 	snop  }
0x6: {  	_ = 	snop  }
0x7: {  	_ = 	snop  }
__scs_overlays_trampoline_lowered:
0x8: {  	[smem:$0x3F9F] =	sst s0  }
0x9: {  	[smem:$0x3FA0] =	sst s1  }
0xa: {  	[smem:$0x3FA1] =	sst s2  }
0xb: {  	[smem:$0x3FA2] =	sst s3  }
0xc: {  	[smem:$0x3FA3] =	sst s4  }
0xd: {  	[smem:$0x3FA4] =	sst s5  }
0xe: {  	[smem:$0x3FA5] =	sst s6  }
0xf: {  	[smem:$0x3FA6] =	sst s7  }
0x10: {  	[smem:$0x3FA7] =	sst s8  }
0x11: {  	[smem:$0x3FA8] =	sst s9;
	s0 =	simm.s32 @!p0 $0x0  }
0x12: {  	s1 =	sld [smem:$0x3F8E];
	s0 =	simm.s32 @p0 $0x1  }
0x13: {  	[smem:$0x3FA9] =	sst s0;
	s0 =	simm.s32 @!p1 $0x0  }
0x14: {  	s2 =	sld [smem:$0x3F8D];
	s0 =	simm.s32 @p1 $0x1  }
0x15: {  	[smem:$0x3FAA] =	sst s0;
	s0 =	simm.s32 @!p2 $0x0  }
0x16: {  	s3 =	sld [smem:$0x3FDB];
	s0 =	simm.s32 @p2 $0x1  }
0x17: {  	s4 =	simm.s32 $0x1BF5;
	[smem:$0x3FAC] =	sst s0  }
0x18: {  	s0 =	sld [smem:$0x3F8F];
	_ =	swait.ge [sflag:s4], $0x0  }
0x19: {  	s7 =	sld [smem:$0x3F90]  }
0x1a: {  	s8 =	sadd.s32 $0xFFFFE003, lr  }
0x1b: {  	s9 =	sadd.s32 $0xFFFFFEF7, lr;
	s5 =	simm.s32 $0xFFFFFFFF;
	p2 =	slt.u32 s8, $0xFFFFF086  }
0x1c: {  	p1 =	slt.u32 s9, $0xF7A;
	s5 =	simm.s32 @!p2 $0x0  }
0x1d: {  	s5 =	simm.s32 @p1 $0x1;
	p0 =	seq.s32 s7, s2  }
0x1e: {  	s7 =	smul.u32 @!p0 $0xF7A, s2;
	p2 =	seq.s32 @!p0 s5, $0x0  }
0x1f: {  	s9 =	smul.u32 $0xF7A, s1;
	s8 =	simm.s32 @!p0 $0x1BF5;
	p2 =	por !p2, p0  }
0x20: {  	[sflag:s8] =	ssyncset.s32 @!p0 $0xFFFFF086;
	s6 =	sadd.s32 @!p0 s3, s7;
	s7 =	simm.s32 @!p0 $0x108  }
0x21: {  	s3 =	sadd.s32 s3, s9;
	s6 =	sadd.s32 @!p0 $0x88, s6;
	s7 =	simm.s32 @p2 $0x1082  }
0x22: {  	[simem:s7], [sflag:s8] =	dma.local @!p0 [hbm:s6], $0xF7A  }
0x23: {  	s9 =	sor.u32 $0xD0000000, s2;
	s6 =	simm.s32 $0x108;
	_ =	swait.ge @!p0 [sflag:s8], $0x0  }
0x24: {  	s3 =	sadd.s32 $0x88, s3;
	s6 =	simm.s32 @!p1 $0x1082;
	[sflag:s4] =	ssyncset.s32 $0xFFFFF086  }
0x25: {  	[simem:s6], [sflag:s4] =	dma.local [hbm:s3], $0xF7A  }
0x26: {  	[smem:$0x3F90] =	sst s1;
	(tag) =	ssettag s2;
	_ =	strace s9  }
0x27: {  	s1 =	sld [smem:$0x3FA0]  }
0x28: {  	s2 =	sld [smem:$0x3FA1]  }
0x29: {  	s4 =	sld [smem:$0x3FA3]  }
0x2a: {  	p0 =	seq.s32 s5, $0x0;
	s5 =	sld [smem:$0x3FA4]  }
0x2b: {  	s6 =	sld [smem:$0x3FA5]  }
0x2c: {  	s7 =	sld [smem:$0x3FA6]  }
0x2d: {  	s3 =	simm.s32 $0x108;
	s8 =	sld [smem:$0x3FA7]  }
0x2e: {  	s3 =	simm.s32 @!p0 $0x1082;
	s9 =	sld [smem:$0x3FA8]  }
0x2f: {  	lr =	sadd.s32 s0, s3;
	s0 =	sld [smem:$0x3F9F]  }
0x30: {  	s3 =	sld [smem:$0x3FA2]  }
0x31: {  	[smem:$0x3FAB] =	sst s10  }
0x32: {  	s10 =	sld [smem:$0x3FA9];
	_ =	sdelay $0x3  }
0x33: {  	p0 =	seq.s32 s10, $0x1;
	s10 =	sld [smem:$0x3FAB];
	_ =	sdelay $0x3  }
0x34: {  	[smem:$0x3FAB] =	sst s10  }
0x35: {  	s10 =	sld [smem:$0x3FAA];
	_ =	sdelay $0x3  }
0x36: {  	p1 =	seq.s32 s10, $0x1;
	s10 =	sld [smem:$0x3FAB];
	_ =	sdelay $0x3  }
0x37: {  	[smem:$0x3FAB] =	sst s10  }
0x38: {  	s10 =	sld [smem:$0x3FAC]  }
0x39: {  	_ = 	snop;
	(pc) =	sbr.ind lr, $3  }
0x3a: {  	_ = 	snop  }
0x3b: {  	_ = 	snop  }
0x3c: {  	p2 =	seq.s32 s10, $0x1;
	s10 =	sld [smem:$0x3FAB]  }
0x3d: {  	_ =	shalt  }
0x3e: {  	_ =	shalt  }
0x3f: {  	_ =	shalt  }
0x40: {  	_ =	shalt  }
0x41: {  	_ =	shalt  }
0x42: {  	_ =	shalt  }
0x43: {  	_ =	shalt  }
0x44: {  	_ =	shalt  }
0x45: {  	_ =	shalt  }
0x46: {  	_ =	shalt  }
0x47: {  	_ =	shalt  }
0x48: {  	_ =	shalt  }
0x49: {  	_ =	shalt  }
0x4a: {  	_ =	shalt  }
0x4b: {  	_ =	shalt  }
0x4c: {  	_ =	shalt  }
0x4d: {  	_ =	shalt  }
0x4e: {  	_ =	shalt  }
0x4f: {  	_ =	shalt  }
0x50: {  	_ =	shalt  }
0x51: {  	_ =	shalt  }
0x52: {  	_ =	shalt  }
0x53: {  	_ =	shalt  }
0x54: {  	_ =	shalt  }
0x55: {  	_ =	shalt  }
0x56: {  	_ =	shalt  }
0x57: {  	_ =	shalt  }
0x58: {  	_ =	shalt  }
0x59: {  	_ =	shalt  }
0x5a: {  	_ =	shalt  }
0x5b: {  	_ =	shalt  }
0x5c: {  	_ =	shalt  }
0x5d: {  	_ =	shalt  }
0x5e: {  	_ =	shalt  }
0x5f: {  	_ =	shalt  }
0x60: {  	_ =	shalt  }
0x61: {  	_ =	shalt  }
0x62: {  	_ =	shalt  }
0x63: {  	_ =	shalt  }
0x64: {  	_ =	shalt  }
0x65: {  	_ =	shalt  }
0x66: {  	_ =	shalt  }
0x67: {  	_ =	shalt  }
0x68: {  	_ =	shalt  }
0x69: {  	_ =	shalt  }
0x6a: {  	_ =	shalt  }
0x6b: {  	_ =	shalt  }
0x6c: {  	_ =	shalt  }
0x6d: {  	_ =	shalt  }
0x6e: {  	_ =	shalt  }
0x6f: {  	_ =	shalt  }
0x70: {  	_ =	shalt  }
0x71: {  	_ =	shalt  }
0x72: {  	_ =	shalt  }
0x73: {  	_ =	shalt  }
0x74: {  	_ =	shalt  }
0x75: {  	_ =	shalt  }
0x76: {  	_ =	shalt  }
0x77: {  	_ =	shalt  }
0x78: {  	_ =	shalt  }
0x79: {  	_ =	shalt  }
0x7a: {  	_ =	shalt  }
0x7b: {  	_ =	shalt  }
0x7c: {  	_ =	shalt  }
0x7d: {  	_ =	shalt  }
0x7e: {  	_ =	shalt  }
0x7f: {  	_ =	shalt  }
0x80: {  	_ =	shalt  }
0x81: {  	_ =	shalt  }
0x82: {  	_ =	shalt  }
0x83: {  	_ =	shalt  }
0x84: {  	_ =	shalt  }
0x85: {  	_ =	shalt  }
0x86: {  	_ =	shalt  }
0x87: {  	_ =	shalt  }
.Lfunc_end0:
.L_simem_size_0:
called_computation_lowered:
.L_overlay_start_0:
0x88: {  	s2 =	sld [smem:$0x3FD9]  }
0x89: {  	s3 =	sld [smem:$0x3FFE];
	_ =	sdelay $0x1  }
0x8a: {  	s1 =	srdreg.scid  }
0x8b: {  	s0 =	sand.u32 $0x1, s1  }
0x8c: {  	s14 =	sshll.u32 s0, $0xA;
	s2 =	sadd.s32 s3, s2  }
0x8d: {  	s2 =	sadd.s32 s2, s14  }
0x8e: {  	[smem:$0x3FB7] =	sst s2  }
0x8f: {  	_ = 	snop  }
0x90: {  	s2 =	sld [smem:$0x3FD0];
	_ =	sdelay $0x2  }
0x91: {  	s15 =	simm.s32 $0xA;
	s4 =	simm.s32 $0x10  }
0x92: {  	[smem:s4], [sflag:s15] =	dma.local [hbm:s2], $0x1  }
0x93: {  	_ =	swait.eq [sflag:s15], $0x1  }
0x94: {  	[sflag:s15] =	ssyncset.done $0x0  }
0x95: {  	s16 =	sld [smem:$0x10];
	[sflag:s15] =	ssyncadd.s32 $0xFFFFFFFF  }
0x96: {  	s17 =	sld [smem:$0x11];
	(tm) =	ssettm $0x1  }
0x97: {  	s18 =	sld [smem:$0x3FFB];
	_ =	sdelay $0x3  }
0x98: {  	_ =	strace s18  }
0x99: {  	s4 =	sld [smem:$0x3FFC];
	_ =	sdelay $0x3  }
0x9a: {  	_ =	strace s4  }
0x9b: {  	s4 =	sld [smem:$0x3FFD];
	_ =	sdelay $0x3  }
0x9c: {  	_ =	strace s4  }
0x9d: {  	_ =	strace $0x8FFFFFFF  }
0x9e: {  	s19 =	sld [smem:$0x3FDB];
	_ =	sdelay $0x1  }
0x9f: {  	s5 =	simm.s32 $_scs_section_size  }
0xa0: {  	s6 =	simm.s32 $_size__tile_overlayer_lowered;
	s7 =	simm.s32 $_tile_overlayer_lowered  }
0xa1: {  	s22 =	simm.s32 $0x1BFF;
	s21 =	sshll.u32 s7, $0x1;
	s4 =	sadd.s32 s5, s19  }
0xa2: {  	s8 =	simm.s32 $0x0;
	s20 =	sshll.u32 s6, $0x1;
	s6 =	sadd.s32 s21, s4  }
0xa3: {  	[timem:s8], [sflag:s22] =	dma.local [hbm:s6], s20  }
0xa4: {  	_ =	swait.ge [sflag:s22], s20  }
0xa5: {  	s5 =	ssub.s32 $0x0, s20;
	[sflag:s22] =	ssyncset.done $0x0  }
0xa6: {  	[sflag:s22] =	ssyncadd.s32 s5;
	_ =	sdelay $0x1  }
0xa7: {  	s23 =	simm.s32 $0x1B8B  }
0xa8: {  	_ =	swait.ge [sflag:s23], $0x1  }
0xa9: {  	[sflag:s23] =	ssyncset.done $0x0  }
0xaa: {  	s25 =	simm.s32 $0x1B8E;
	s24 =	sld [smem:$0x3FFE];
	[sflag:s23] =	ssyncadd.s32 $0xFFFFFFFF  }
0xab: {  	s26 =	simm.s32 $execute0_lowered;
	[smem:$0x3FD2] =	sst s25  }
0xac: {  	s6 =	sshll.u32 s26, $0x1;
	_ =	strace $0x80000046;
	[dreg:$0x1] =	wrdreg $0xFFFFFFFF  }
0xad: {  	s28 =	simm.s32 $_size_execute0_lowered;
	s4 =	sadd.s32 s4, s6;
	[dreg:$0x0] =	wrdreg $0x0  }
0xae: {  	s6 =	sshll.u32 s28, $0x1;
	[dreg:$0x2] =	wrdreg s4  }
0xaf: {  	[dreg:$0x3] =	wrdreg s6  }
0xb0: {  	[dreg:$0x4] =	wrdreg $0xC0  }
0xb1: {  	_ =	task [dreg:s8], $0x5FFFF  }
0xb2: {  	[dreg:$0x1] =	wrdreg $0xFFFFFFFF  }
0xb3: {  	[dreg:$0x0] =	wrdreg $0x60  }
0xb4: {  	[dreg:$0x2] =	wrdreg s17  }
0xb5: {  	[dreg:$0x3] =	wrdreg s24  }
0xb6: {  	[dreg:$0x4] =	wrdreg s16  }
0xb7: {  	[dreg:$0x5] =	wrdreg $0xA2000  }
0xb8: {  	[dreg:$0x6] =	wrdreg $0x9  }
0xb9: {  	_ =	task.clear_ibuf [dreg:s8], $0x7FFFF;
	_ =	strace $0x90000046  }
0xba: {  	s29 =	simm.s32 $0x9;
	_ =	strace $0x80000048  }
0xbb: {  	_ =	swait.ge [sflag:s29], $0x1  }
0xbc: {  	[sflag:s29] =	ssyncadd.s32 $0xFFFFFFFF  }
0xbd: {  	_ =	strace $0x90000048  }
0xbe: {  	_ =	sfence  }
0xbf: {  	s30 =	sld [smem:$0x0];
	_ =	sdelay $0x2  }
0xc0: {  	s31 =	sshll.u32 s1, $0xD;
	s1 =	sshrl.u32 s1, $0x2  }
0xc1: {  	s3 =	sand.u32 $0x4000, s31;
	s1 =	sadd.s32 s1, s30  }
0xc2: {  	s0 =	sor.u32 s3, s0;
	s1 =	sshll.u32 s1, $0x11  }
0xc3: {  	s0 =	sor.u32 s1, s0  }
0xc4: {  	s0 =	sadd.s32 $0x8F2B, s0  }
0xc5: {  	[sflag:s0] =	ssyncadd.remote.s32 $0x1  }
0xc6: {  	_ =	sfence.sel $0xFFFF  }
0xc7: {  	[dreg:$0x0] =	wrdreg $0xFFFFFFFF;
	(pc) =	sbr.abs _section_cstart, $3  }
0xc8: {  	[dreg:$0x1] =	wrdreg $0xFFFFFFFF  }
0xc9: {  	_ =	task.clear_ibuf [dreg:s8], $0x2FFFF;
	_ =	strace $0x9FFFFFFF  }
0xca: {  	(tm) =	ssettm $0x7FFFFFFF  }
0xcb: {  	_ =	shalt  }
tec
execute0_lowered:
.L_overlay_start_1:
0x0: {  	(tag) =	ssettag $0x1  }
0x1: {  	s13 =	rddreg [dreg:$0x0]  }
0x2: {  	s10 =	rddreg [dreg:$0x1]  }
0x3: {  	s1 =	rddreg [dreg:$0x2]  }
0x4: {  	s2 =	rddreg [dreg:$0x3]  }
0x5: {  	s0 =	rddreg [dreg:$0x4];
	s3 =	simm.s32 $0x0  }
0x6: {  	s9 =	srdreg.scid;
	s16 =	stileid.u32;
	s21 =	simm.s32 $0x2  }
0x7: {  	s22 =	simm.s32 $0x7900;
	s23 =	simm.s32 $0xA100;
	s30 =	simm.s32 $0x0  }
0x8: {  	[smem:$0x7FF] =	sst s3;
	s4 =	sadd.s32 $0x16E00, s10;
	s14 =	sadd.s32 $0x4F8E00, s10  }
0x9: {  	s5 =	sadd.s32 $0x520000, s10;
	s6 =	sadd.s32 $0xD000, s10;
	s7 =	sadd.s32 $0x3200, s10  }
0xa: {  	s8 =	sadd.s32 $0x56E400, s10;
	s15 =	sadd.s32 $0x5E3C00, s10;
	s11 =	sand.u32 $0x1, s9  }
0xb: {  	s9 =	sadd.s32 $0xAC5C00, s10;
	s18 =	sshll.u32 s16, $0x5;
	_ =	strace $0x80000047  }
0xc: {  	s12 =	smul.u32 $0x27100, s11;
	s17 =	ssub.s32 $0x2, s11;
	s18 =	sadd.s32 s18, s10  }
0xd: {  	s29 =	sshll.u32 s11, $0x6;
	s20 =	sshll.u32 s11, $0x9;
	p0 =	seq.s32 s11, $0x0  }
0xe: {  	s19 =	sshrl.u32 s17, $0x1;
	s24 =	sor.u32 $0x100, s29;
	s31 =	sadd.s32 s20, s18  }
0xf: {  	s4 =	smov.u32 @p0 s13;
	s5 =	smov.u32 @p0 s14;
	s9 =	smov.u32 @p0 s15  }
0x10: {  	p0 =	sne.s32 s16, $0x0;
	s15 =	simm.s32 $0x80;
	s18 =	simm.s32 $0x50;
	v0 =	vmov s24  }
0x11: {  	s20 =	simm.s32 $0x2900;
	s12 =	sadd.s32 s12, s10;
	s17 =	ssub.s32 s17, s19  }
0x12: {  	s10 =	smul.u32 $0x4E20, s16;
	s11 =	sadd.s32 $0x5E3800, s31;
	s14 =	sshrl.u32 @!p0 s2, $0x3  }
0x13: {  	s16 =	simm.s32 $0x1;
	s19 =	simm.s32 $0x100;
	s24 =	simm.s32 $0x0  }
0x14: {  	s12 =	sadd.s32 $0x595600, s12;
	s13 =	smax.u32 s17, $0x1;
	s17 =	simm.s32 $0x5100  }
.LBB2_1:
0x15: {  	s25 =	simm.s32 @!p0 $0x1C02  }
0x16: {  	[spmem:s14], [sflag:s25] =	dma.local @!p0 [hbm:s8], $0x27100  }
0x17: {  	s25 =	simm.s32 @!p0 $0x2  }
0x18: {  	_ =	swait.ge @!p0 [sflag:s25], $0x27100  }
0x19: {  	v1 =	vimm.f32 $0.0e+00;
	v2 =	vimm.f32 $0.0e+00;
	[sflag:s25] =	ssyncset.done @!p0 $0x0  }
0x1a: {  	v4 =	vimm.f32 $0.0e+00;
	v5 =	vimm.f32 $0.0e+00;
	v3 =	vimm.f32 $0.0e+00;
	[sflag:s25] =	ssyncadd.s32 @!p0 $0xFFFD8F00  }
0x1b: {  	v6 =	vimm.f32 $0.0e+00;
	v7 =	vimm.f32 $0.0e+00;
	v8 =	vimm.f32 $0.0e+00;
	s25 =	simm.s32 $0x0;
	[bflag:$0x0] =	sbarrier.arrive $0xFFFF  }
.LBB2_2:
0x1c: {  	s26 =	smul.u32 $0x50, s25;
	_ =	sdelay $0x1  }
0x1d: {  	s26 =	sadd.s32 s10, s26  }
0x1e: {  	s28 =	sshrl.u32 s26, $0x3  }
0x1f: {  	s29 =	sadd.s32 s6, s28  }
0x20: {  	[tilespmem:s30], [sflag:$0x1] =	stream.linear.gather [hbm4b:s29+s30], $0x50, $0x38;
	[tilespmem:$0x1DA80] =	vst v63  }
0x21: {  	s28 =	sadd.s32 s7, s28  }
0x22: {  	[tilespmem:s15], [sflag:$0x1] =	stream.linear.gather [hbm4b:s28+s30], $0x50, $0x38;
	[tilespmem:$0x1DA80] =	vst v63  }
0x23: {  	_ =	swait.ge [sflag:s16], $0x50  }
0x24: {  	[sflag:s16] =	ssyncset.done $0x0  }
0x25: {  	[sflag:s16] =	ssyncadd.s32 $0xFFFFFFB0  }
0x26: {  	_ =	swait.ge [sflag:s16], $0x50  }
0x27: {  	s26 =	sshll.u32 s26, $0x4;
	[sflag:s16] =	ssyncset.done $0x0  }
0x28: {  	s28 =	sadd.s32 s4, s26;
	[sflag:s16] =	ssyncadd.s32 $0xFFFFFFB0  }
0x29: {  	[tilespmem:s17], [sflag:$0x1] =	stream.linear.gather [hbm4b:s28+s30], $0x2800, $0x38;
	[tilespmem:$0x1DA80] =	vst v63  }
0x2a: {  	_ = 	snop  }
0x2b: {  	[tilespmem:s19], [sflag:$0x1] =	stream.indirect.gather [hbm4b:s1+s18], $0x80, s30, s18, $0xb8;
	[tilespmem:$0x1DA80] =	vst v63  }
0x2c: {  	_ = 	snop  }
0x2d: {  	[tilespmem:s20], [sflag:$0x1] =	stream.indirect.gather [hbm4b:s5+s18], $0x80, s15, s18, $0xb8;
	[tilespmem:$0x1DA80] =	vst v63  }
0x2e: {  	_ =	swait.ge [sflag:s16], $0x2800  }
0x2f: {  	[sflag:s16] =	ssyncset.done $0x0  }
0x30: {  	[sflag:s16] =	ssyncadd.s32 $0xFFFFD800  }
0x31: {  	_ =	swait.ge [sflag:s16], $0x2800  }
0x32: {  	[sflag:s16] =	ssyncset.done $0x0  }
0x33: {  	[sflag:s16] =	ssyncadd.s32 $0xFFFFD800  }
0x34: {  	_ =	swait.ge [sflag:s16], $0x2800  }
0x35: {  	[sflag:s16] =	ssyncset.done $0x0  }
0x36: {  	s29 =	simm.s32 $0x200;
	s28 =	simm.s32 $0x0;
	[sflag:s16] =	ssyncadd.s32 $0xFFFFD800  }
.LBB2_3:
0x37: {  	p1 =	sne.s32 s29, $0x9E00;
	v9 =	vld.idx.msk [tilespmem:v0+s28+$0x0 ss:$0x1], $0xffff  }
0x38: {  	v10 =	vld [tilespmem:s28+$0x5100];
	_ =	sdelay $0x1  }
0x39: {  	v11 =	vld [tilespmem:s28+$0x2900];
	_ =	sdelay $0x2  }
0x3a: {  	v9 =	vadd.f32 v9, v10;
	_ =	sdelay $0x1  }
0x3b: {  	v9 =	vadd.f32 v11, v9;
	_ =	sdelay $0x1  }
0x3c: {  	[tilespmem:s28+$0x5100] =	vst v9;
	v10 =	vsub.f32 $0.0e+00, v9;
	v8 =	vadd.f32 v9, v8;
	v9 =	vmul.f32 v9, v9;
	_ =	sdelay $0x1  }
0x3d: {  	v10 =	vmul.f32 $1.442695020e+00, v10;
	v5 =	vadd.f32 v9, v5;
	_ =	sdelay $0x1  }
0x3e: {  	(erf) = vpow2.f32 v10;
	_ =	sdelay $0x8  }
0x3f: {  	v9 =	vpop (erf)  }
0x40: {  	v9 =	vadd.f32 $1.000000000e+00, v9;
	_ =	sdelay $0x1  }
0x41: {  	(erf) = vrcp.f32 v9;
	_ =	sdelay $0x4  }
0x42: {  	v9 =	vld [tilespmem:s28+$0x2940];
	_ =	sdelay $0x3  }
0x43: {  	v10 =	vpop (erf)  }
0x44: {  	[tilespmem:s28+$0x7940] =	vst v10;
	v9 =	vmul.f32 v10, v9;
	_ =	sdelay $0x1  }
0x45: {  	[tilespmem:s28+$0x7900] =	vst v9  }
0x46: {  	v9 =	vld.idx.msk [tilespmem:v0+s28+$0x10 ss:$0x1], $0xffff  }
0x47: {  	v10 =	vld [tilespmem:s28+$0x5110];
	_ =	sdelay $0x1  }
0x48: {  	v11 =	vld [tilespmem:s28+$0x2910];
	_ =	sdelay $0x2  }
0x49: {  	v9 =	vadd.f32 v9, v10;
	_ =	sdelay $0x1  }
0x4a: {  	v9 =	vadd.f32 v11, v9;
	_ =	sdelay $0x1  }
0x4b: {  	v10 =	vsub.f32 $0.0e+00, v9;
	v7 =	vadd.f32 v9, v7;
	v11 =	vmul.f32 v9, v9;
	_ =	sdelay $0x1  }
0x4c: {  	v10 =	vmul.f32 $1.442695020e+00, v10;
	v4 =	vadd.f32 v11, v4;
	_ =	sdelay $0x1  }
0x4d: {  	(erf) = vpow2.f32 v10;
	_ =	sdelay $0x8  }
0x4e: {  	v10 =	vpop (erf)  }
0x4f: {  	v10 =	vadd.f32 $1.000000000e+00, v10;
	_ =	sdelay $0x1  }
0x50: {  	(erf) = vrcp.f32 v10;
	_ =	sdelay $0x4  }
0x51: {  	v10 =	vld [tilespmem:s28+$0x2950];
	_ =	sdelay $0x3  }
0x52: {  	v11 =	vpop (erf)  }
0x53: {  	[tilespmem:s28+$0x7950] =	vst v11;
	v10 =	vmul.f32 v11, v10  }
0x54: {  	[tilespmem:s28+$0x5110] =	vst v9  }
0x55: {  	[tilespmem:s28+$0x7910] =	vst v10  }
0x56: {  	v9 =	vld.idx.msk [tilespmem:v0+s28+$0x20 ss:$0x1], $0xffff  }
0x57: {  	v10 =	vld [tilespmem:s28+$0x5120];
	_ =	sdelay $0x1  }
0x58: {  	v11 =	vld [tilespmem:s28+$0x2920];
	_ =	sdelay $0x2  }
0x59: {  	v9 =	vadd.f32 v9, v10;
	_ =	sdelay $0x1  }
0x5a: {  	v9 =	vadd.f32 v11, v9;
	_ =	sdelay $0x1  }
0x5b: {  	v10 =	vsub.f32 $0.0e+00, v9;
	v6 =	vadd.f32 v9, v6;
	v11 =	vmul.f32 v9, v9;
	_ =	sdelay $0x1  }
0x5c: {  	v10 =	vmul.f32 $1.442695020e+00, v10;
	v2 =	vadd.f32 v11, v2;
	_ =	sdelay $0x1  }
0x5d: {  	(erf) = vpow2.f32 v10;
	_ =	sdelay $0x8  }
0x5e: {  	v10 =	vpop (erf)  }
0x5f: {  	v10 =	vadd.f32 $1.000000000e+00, v10;
	_ =	sdelay $0x1  }
0x60: {  	(erf) = vrcp.f32 v10;
	_ =	sdelay $0x4  }
0x61: {  	v10 =	vld [tilespmem:s28+$0x2960];
	_ =	sdelay $0x3  }
0x62: {  	v11 =	vpop (erf)  }
0x63: {  	[tilespmem:s28+$0x7960] =	vst v11;
	v10 =	vmul.f32 v11, v10  }
0x64: {  	[tilespmem:s28+$0x5120] =	vst v9  }
0x65: {  	[tilespmem:s28+$0x7920] =	vst v10  }
0x66: {  	v9 =	vld.idx.msk [tilespmem:v0+s28+$0x30 ss:$0x1], $0xffff  }
0x67: {  	v10 =	vld [tilespmem:s28+$0x5130];
	_ =	sdelay $0x1  }
0x68: {  	v11 =	vld [tilespmem:s28+$0x2930];
	_ =	sdelay $0x2  }
0x69: {  	v9 =	vadd.f32 v9, v10;
	_ =	sdelay $0x1  }
0x6a: {  	v9 =	vadd.f32 v11, v9;
	_ =	sdelay $0x1  }
0x6b: {  	[tilespmem:s28+$0x5130] =	vst v9;
	v10 =	vsub.f32 $0.0e+00, v9;
	v3 =	vadd.f32 v9, v3;
	v9 =	vmul.f32 v9, v9;
	_ =	sdelay $0x1  }
0x6c: {  	v10 =	vmul.f32 $1.442695020e+00, v10;
	v1 =	vadd.f32 v9, v1;
	_ =	sdelay $0x1  }
0x6d: {  	(erf) = vpow2.f32 v10;
	_ =	sdelay $0x8  }
0x6e: {  	v9 =	vpop (erf)  }
0x6f: {  	v9 =	vadd.f32 $1.000000000e+00, v9;
	_ =	sdelay $0x1  }
0x70: {  	(erf) = vrcp.f32 v9;
	_ =	sdelay $0x4  }
0x71: {  	v9 =	vld [tilespmem:s28+$0x2970];
	_ =	sdelay $0x2  }
.Ltmp0:
0x72: {  	(pc) =	sbr.rel @p1 .LBB2_3-.Ltmp0, $3  }
0x73: {  	v10 =	vpop (erf)  }
0x74: {  	[tilespmem:s28+$0x7970] =	vst v10;
	v9 =	vmul.f32 v10, v9;
	_ =	sdelay $0x1  }
0x75: {  	[tilespmem:s28+$0x7930] =	vst v9;
	s28 =	sshra.s32 s29, $0x2;
	s29 =	sadd.s32 $0x200, s29  }
0x76: {  	_ =	sdelay $0x3  }
0x77: {  	v9 =	vld.idx.msk [tilespmem:v0+s28+$0x0 ss:$0x1], $0xffff  }
0x78: {  	v10 =	vld [tilespmem:s28+$0x5100];
	_ =	sdelay $0x1  }
0x79: {  	v11 =	vld [tilespmem:s28+$0x2900];
	_ =	sdelay $0x2  }
0x7a: {  	v9 =	vadd.f32 v9, v10;
	_ =	sdelay $0x1  }
0x7b: {  	v9 =	vadd.f32 v11, v9;
	_ =	sdelay $0x1  }
0x7c: {  	v10 =	vsub.f32 $0.0e+00, v9;
	_ =	sdelay $0x1  }
0x7d: {  	v10 =	vmul.f32 $1.442695020e+00, v10;
	_ =	sdelay $0x1  }
0x7e: {  	(erf) = vpow2.f32 v10;
	_ =	sdelay $0x8  }
0x7f: {  	v10 =	vpop (erf)  }
0x80: {  	v10 =	vadd.f32 $1.000000000e+00, v10;
	_ =	sdelay $0x1  }
0x81: {  	(erf) = vrcp.f32 v10;
	_ =	sdelay $0x4  }
0x82: {  	v10 =	vld [tilespmem:s28+$0x2940];
	_ =	sdelay $0x3  }
0x83: {  	v11 =	vpop (erf)  }
0x84: {  	[tilespmem:s28+$0x5100] =	vst v9;
	v10 =	vmul.f32 v11, v10  }
0x85: {  	[tilespmem:s28+$0x7940] =	vst v11  }
0x86: {  	v11 =	vld [tilespmem:s28+$0x5110];
	[tilespmem:s28+$0x7900] =	vst v10  }
0x87: {  	v10 =	vld.idx.msk [tilespmem:v0+s28+$0x10 ss:$0x1], $0xffff;
	_ =	sdelay $0x1  }
0x88: {  	v12 =	vld [tilespmem:s28+$0x2910];
	_ =	sdelay $0x2  }
0x89: {  	v10 =	vadd.f32 v10, v11;
	_ =	sdelay $0x1  }
0x8a: {  	v10 =	vadd.f32 v12, v10;
	_ =	sdelay $0x1  }
0x8b: {  	v11 =	vsub.f32 $0.0e+00, v10;
	_ =	sdelay $0x1  }
0x8c: {  	v11 =	vmul.f32 $1.442695020e+00, v11;
	_ =	sdelay $0x1  }
0x8d: {  	(erf) = vpow2.f32 v11;
	_ =	sdelay $0x8  }
0x8e: {  	v11 =	vpop (erf)  }
0x8f: {  	v11 =	vadd.f32 $1.000000000e+00, v11;
	_ =	sdelay $0x1  }
0x90: {  	(erf) = vrcp.f32 v11;
	_ =	sdelay $0x4  }
0x91: {  	v11 =	vld [tilespmem:s28+$0x2950];
	_ =	sdelay $0x3  }
0x92: {  	v53 =	vpop (erf)  }
0x93: {  	[tilespmem:s28+$0x5110] =	vst v10;
	v11 =	vmul.f32 v53, v11  }
0x94: {  	[tilespmem:s28+$0x7950] =	vst v53  }
0x95: {  	v54 =	vld [tilespmem:s28+$0x5120];
	[tilespmem:s28+$0x7910] =	vst v11  }
0x96: {  	v11 =	vld.idx.msk [tilespmem:v0+s28+$0x20 ss:$0x1], $0xffff;
	_ =	sdelay $0x1  }
0x97: {  	v13 =	vld [tilespmem:s28+$0x2920];
	_ =	sdelay $0x2  }
0x98: {  	v11 =	vadd.f32 v11, v54;
	_ =	sdelay $0x1  }
0x99: {  	v11 =	vadd.f32 v13, v11;
	_ =	sdelay $0x1  }
0x9a: {  	v55 =	vsub.f32 $0.0e+00, v11;
	_ =	sdelay $0x1  }
0x9b: {  	v12 =	vmul.f32 $1.442695020e+00, v55;
	_ =	sdelay $0x1  }
0x9c: {  	(erf) = vpow2.f32 v12;
	_ =	sdelay $0x8  }
0x9d: {  	v12 =	vpop (erf)  }
0x9e: {  	v12 =	vadd.f32 $1.000000000e+00, v12;
	_ =	sdelay $0x1  }
0x9f: {  	(erf) = vrcp.f32 v12;
	_ =	sdelay $0x4  }
0xa0: {  	v56 =	vld [tilespmem:s28+$0x2960];
	_ =	sdelay $0x3  }
0xa1: {  	v57 =	vpop (erf)  }
0xa2: {  	[tilespmem:s28+$0x5120] =	vst v11;
	v12 =	vmul.f32 v57, v56  }
0xa3: {  	[tilespmem:s28+$0x7960] =	vst v57  }
0xa4: {  	v58 =	vld [tilespmem:s28+$0x5130];
	[tilespmem:s28+$0x7920] =	vst v12  }
0xa5: {  	v12 =	vld.idx.msk [tilespmem:v0+s28+$0x30 ss:$0x1], $0xffff;
	_ =	sdelay $0x1  }
0xa6: {  	v14 =	vld [tilespmem:s28+$0x2930];
	_ =	sdelay $0x2  }
0xa7: {  	v12 =	vadd.f32 v12, v58;
	_ =	sdelay $0x1  }
0xa8: {  	v12 =	vadd.f32 v14, v12;
	_ =	sdelay $0x1  }
0xa9: {  	v59 =	vsub.f32 $0.0e+00, v12;
	_ =	sdelay $0x1  }
0xaa: {  	v13 =	vmul.f32 $1.442695020e+00, v59;
	_ =	sdelay $0x1  }
0xab: {  	(erf) = vpow2.f32 v13;
	_ =	sdelay $0x8  }
0xac: {  	v13 =	vpop (erf)  }
0xad: {  	v13 =	vadd.f32 $1.000000000e+00, v13;
	_ =	sdelay $0x1  }
0xae: {  	(erf) = vrcp.f32 v13;
	_ =	sdelay $0x4  }
0xaf: {  	v60 =	vld [tilespmem:s28+$0x2970];
	_ =	sdelay $0x3  }
0xb0: {  	v61 =	vpop (erf)  }
0xb1: {  	[tilespmem:s28+$0x5130] =	vst v12;
	v13 =	vmul.f32 v61, v60  }
0xb2: {  	[tilespmem:s28+$0x7970] =	vst v61  }
0xb3: {  	s26 =	sadd.s32 s9, s26;
	[tilespmem:s28+$0x7930] =	vst v13  }
0xb4: {  	[hbm4b:s26+s3] =	stream.linear.scatter [tilespmem:s17], [sflag:$0x2], $0x2800, $0x38;
	[tilespmem:$0x1DA80] =	vst v63  }
0xb5: {  	s25 =	sadd.s32 $0x1, s25;
	_ =	swait.ge [sflag:s21], $0x2800  }
0xb6: {  	p1 =	sne.s32 s25, $0xFA;
	v62 =	vmul.f32 v9, v9;
	[sflag:s21] =	ssyncset.done $0x0  }
.Ltmp1:
0xb7: {  	v63 =	vmul.f32 v10, v10;
	[sflag:s21] =	ssyncadd.s32 $0xFFFFD800;
	(pc) =	sbr.rel @p1 .LBB2_2-.Ltmp1, $4  }
0xb8: {  	v8 =	vadd.f32 v9, v8;
	v5 =	vadd.f32 v62, v5;
	v9 =	vmul.f32 v11, v11;
	[spmem:s2] =	stream.indirect.scatter.add.f32 [tilespmem:s22], [sflag:$0x2], $0x80, s3, s18, $0xb8;
	[tilespmem:$0x1DA80] =	vst v63  }
0xb9: {  	v7 =	vadd.f32 v10, v7;
	v4 =	vadd.f32 v63, v4;
	v10 =	vmul.f32 v12, v12;
	_ =	swait.ge [sflag:s21], $0x2800  }
0xba: {  	v6 =	vadd.f32 v11, v6;
	v2 =	vadd.f32 v9, v2;
	[sflag:s21] =	ssyncset.done $0x0  }
0xbb: {  	v3 =	vadd.f32 v12, v3;
	v1 =	vadd.f32 v10, v1;
	[sflag:s21] =	ssyncadd.s32 $0xFFFFD800  }
0xbc: {  	[tilespmem:$0xA100] =	vst v8  }
0xbd: {  	[tilespmem:$0xA180] =	vst v5  }
0xbe: {  	[tilespmem:$0xA110] =	vst v7  }
0xbf: {  	[tilespmem:$0xA190] =	vst v4  }
0xc0: {  	[tilespmem:$0xA120] =	vst v6  }
0xc1: {  	[tilespmem:$0xA1A0] =	vst v2  }
0xc2: {  	[tilespmem:$0xA130] =	vst v3  }
0xc3: {  	[tilespmem:$0xA1B0] =	vst v1  }
0xc4: {  	[hbm4b:s11+s3] =	stream.linear.scatter [tilespmem:s23], [sflag:$0x2], $0x100, $0x38;
	[tilespmem:$0x1DA80] =	vst v63  }
0xc5: {  	_ =	swait.ge [sflag:s21], $0x100  }
0xc6: {  	[sflag:s21] =	ssyncset.done $0x0  }
0xc7: {  	s24 =	sadd.s32 $0x1, s24;
	[sflag:s21] =	ssyncadd.s32 $0xFFFFFF00  }
0xc8: {  	s25 =	simm.s32 @!p0 $0x1C02;
	p1 =	sne.s32 s24, s13;
	[bflag:$0x0] =	sbarrier.arrive $0xFFFF  }
0xc9: {  	[hbm:s12], [sflag:s25] =	dma.local @!p0 [spmem:s14], $0x27100  }
.Ltmp2:
0xca: {  	_ = 	snop;
	(pc) =	sbr.rel @p1 .LBB2_1-.Ltmp2, $4  }
0xcb: {  	s25 =	simm.s32 @!p0 $0x2  }
0xcc: {  	_ =	swait.ge @!p0 [sflag:s25], $0x27100  }
0xcd: {  	[sflag:s25] =	ssyncset.done @!p0 $0x0  }
0xce: {  	[sflag:s25] =	ssyncadd.s32 @!p0 $0xFFFD8F00  }
0xcf: {  	_ =	sfence.sel $0x180000  }
0xd0: {  	[bflag:$0x0] =	sbarrier.arrive $0xFFFF  }
0xd1: {  	_ =	strace $0x90000047  }
0xd2: {  	s0 =	sadd.s32 @!p0 $0x100000, s0;
	[bflag:$0x2] =	sbarrier.arrive $0xFFFF  }
0xd3: {  	[sflag:s0] =	ssyncadd.tile.s32 @!p0 $0x1;
	_ =	shalt  }
.Lfunc_end2:
_tile_overlayer_lowered:
.L_overlay_start_2:
0xd4: {  	(tag) =	ssettag $0x2  }
0xd5: {  	s0 =	rddreg [dreg:$0x0];
	s2 =	stileid.u32  }
0xd6: {  	s1 =	rddreg [dreg:$0x1];
	p0 =	sne.s32 s2, $0x0  }
0xd7: {  	s3 =	rddreg [dreg:$0x2];
	[bflag:$0x3] =	sbarrier.arrive $0xFFFF;
	s2 =	simm.s32 @!p0 $0x1C02  }
0xd8: {  	[timem:s3], [sflag:s2] =	dma.local @!p0 [hbm:s0], s1  }
0xd9: {  	s0 =	simm.s32 @!p0 $0x2  }
0xda: {  	_ =	swait.ge @!p0 [sflag:s0], s1  }
0xdb: {  	s1 =	ssub.s32 @!p0 $0x0, s1;
	[sflag:s0] =	ssyncset.done @!p0 $0x0  }
0xdc: {  	[sflag:s0] =	ssyncadd.s32 @!p0 s1  }
0xdd: {  	[bflag:$0x3] =	sbarrier.arrive $0xFFFF  }
0xde: {  	_ =	shalt  }

</sc_bundles>
